<compile_context>
chip_gen: v7x
topology: tpu7x:2x2x1
jax: 0.10.2.dev20260603
libtpu: 0.0.44.dev20260713+nightly
codegen_flags: <defaults>
</compile_context>

<pallas_src>
import functools

import jax
import jax.numpy as jnp
from jax import lax
from jax.experimental import pallas as pl
from jax.experimental.pallas import tpu as pltpu
from jax.experimental.pallas import tpu_sc as plsc

B, S, D0, D1, D2 = 1024, 20, 256, 128, 64
M, K, A = 65536, 32, 16
GS = 128
NG = M // GS
TOPG = 40
NCAND = TOPG * GS
BB5 = 256

BB = 128
MB = 2048

SC_CORES, SC_SUBCORES = 2, 16
NW = SC_CORES * SC_SUBCORES

_NEG = -3.0e38
_IBIG = 2**31 - 1


def _encode_kernel(x_ref, we_ref, be_ref, w1_ref, b1_ref, w2_ref, b2_ref,
                   proto_ref, s0_ref, qn_ref, s1_ref, s2_ref, bel_ref,
                   ba_ref, befe_ref, fe_ref, acc_ref):
    i = pl.program_id(0)
    pooled = jnp.mean(x_ref[...], axis=1)
    s0 = jnp.tanh(jnp.dot(pooled, we_ref[...]) + be_ref[...])
    s1 = jnp.tanh(jnp.dot(s0, w1_ref[...]) + b1_ref[...])
    s2 = jnp.tanh(jnp.dot(s1, w2_ref[...]) + b2_ref[...])
    s0_ref[...] = s0
    s1_ref[...] = s1
    s2_ref[...] = s2
    qn_ref[...] = s0 / (jnp.sqrt(jnp.sum(s0 * s0, axis=1, keepdims=True)) + 1e-6)

    @pl.when(i == 0)
    def _():
        acc_ref[0] = 0.0
        acc_ref[1] = 0.0
        acc_ref[2] = 0.0

    acc_ref[0] += jnp.sum(s0 * s0)
    acc_ref[1] += jnp.sum(s1 * s1)
    acc_ref[2] += jnp.sum(s2 * s2)

    @pl.when(i == pl.num_programs(0) - 1)
    def _():
        fe = 0.5 * (acc_ref[0] / (B * D0) + acc_ref[1] / (B * D1)
                    + acc_ref[2] / (B * D2))
        fe_ref[...] = jnp.broadcast_to(fe, (1, 1))

    d = s2[:, None, :] - proto_ref[...][None, :, :]
    efe = jnp.sum(d * d, axis=-1)
    mx = jnp.max(-efe, axis=-1, keepdims=True)
    e = jnp.exp(-efe - mx)
    bel_ref[...] = e / jnp.sum(e, axis=-1, keepdims=True)
    mn = jnp.min(efe, axis=-1, keepdims=True)
    befe_ref[...] = mn
    ai = lax.broadcasted_iota(jnp.int32, efe.shape, 1)
    ba_ref[...] = jnp.min(jnp.where(efe == mn, ai, _IBIG), axis=-1,
                          keepdims=True)


def _encode(x, W_enc0, b_enc0, W_l1, b_l1, W_l2, b_l2, action_proto):
    grid = B // BB
    full = lambda shape: pl.BlockSpec(shape, lambda i: tuple(0 for _ in shape))
    out = pl.pallas_call(
        _encode_kernel,
        grid=(grid,),
        in_specs=[
            pl.BlockSpec((BB, S, D0), lambda i: (i, 0, 0)),
            full((D0, D0)), full((1, D0)),
            full((D0, D1)), full((1, D1)),
            full((D1, D2)), full((1, D2)),
            full((A, D2)),
        ],
        out_specs=[
            pl.BlockSpec((BB, D0), lambda i: (i, 0)),
            pl.BlockSpec((BB, D0), lambda i: (i, 0)),
            pl.BlockSpec((BB, D1), lambda i: (i, 0)),
            pl.BlockSpec((BB, D2), lambda i: (i, 0)),
            pl.BlockSpec((BB, A), lambda i: (i, 0)),
            pl.BlockSpec((BB, 1), lambda i: (i, 0)),
            pl.BlockSpec((BB, 1), lambda i: (i, 0)),
            pl.BlockSpec((1, 1), lambda i: (0, 0)),
        ],
        out_shape=[
            jax.ShapeDtypeStruct((B, D0), jnp.float32),
            jax.ShapeDtypeStruct((B, D0), jnp.float32),
            jax.ShapeDtypeStruct((B, D1), jnp.float32),
            jax.ShapeDtypeStruct((B, D2), jnp.float32),
            jax.ShapeDtypeStruct((B, A), jnp.float32),
            jax.ShapeDtypeStruct((B, 1), jnp.int32),
            jax.ShapeDtypeStruct((B, 1), jnp.float32),
            jax.ShapeDtypeStruct((1, 1), jnp.float32),
        ],
        scratch_shapes=[pltpu.SMEM((3,), jnp.float32)],
    )(x, W_enc0, b_enc0.reshape(1, D0), W_l1, b_l1.reshape(1, D1),
      W_l2, b_l2.reshape(1, D2), action_proto)
    return out


def _sims_kernel(qn_ref, mem_ref, sims_ref, gmax_ref, mcopy_ref):
    j = pl.program_id(0)
    mb = mem_ref[...]
    mcopy_ref[...] = mb
    mn = mb / (jnp.sqrt(jnp.sum(mb * mb, axis=1, keepdims=True)) + 1e-6)
    s = lax.dot_general(qn_ref[...], mn, (((1,), (1,)), ((), ())))
    sims_ref[...] = s
    g = jnp.max(s.reshape(B, MB // GS, GS), axis=2)
    gg = MB // GS
    ri = lax.broadcasted_iota(jnp.int32, (gg, NG), 0)
    ci = lax.broadcasted_iota(jnp.int32, (gg, NG), 1)
    sel = (ci == ri + j * gg).astype(jnp.float32)
    placed = jnp.dot(g, sel, precision=lax.Precision.HIGHEST)

    @pl.when(j == 0)
    def _():
        gmax_ref[...] = jnp.zeros((B, NG), jnp.float32)

    gmax_ref[...] += placed


def _sims(qn, mem):
    grid = M // MB
    return pl.pallas_call(
        _sims_kernel,
        grid=(grid,),
        in_specs=[
            pl.BlockSpec((B, D0), lambda j: (0, 0)),
            pl.BlockSpec((MB, D0), lambda j: (j, 0)),
        ],
        out_specs=[
            pl.BlockSpec((B, MB), lambda j: (0, j)),
            pl.BlockSpec((B, NG), lambda j: (0, 0)),
            pl.BlockSpec((MB, D0), lambda j: (j, 0)),
        ],
        out_shape=[
            jax.ShapeDtypeStruct((B, M), jnp.float32),
            jax.ShapeDtypeStruct((B, NG), jnp.float32),
            jax.ShapeDtypeStruct((M, D0), jnp.float32),
        ],
    )(qn, mem)


def _topg_kernel(gmax_ref, out_ref, w_ref):
    w_ref[...] = gmax_ref[...]
    gi = lax.broadcasted_iota(jnp.int32, (B, NG), 1)
    bi = lax.broadcasted_iota(jnp.int32, (B, 64), 0)
    li = lax.broadcasted_iota(jnp.int32, (B, 64), 1)
    out_ref[...] = jnp.zeros((B, 64), jnp.int32)

    def body(g, _):
        w = w_ref[...]
        m = jnp.max(w, axis=1, keepdims=True)
        idx = jnp.min(jnp.where(w == m, gi, _IBIG), axis=1, keepdims=True)
        w_ref[...] = jnp.where(gi == idx, _NEG, w)
        out_ref[...] += jnp.where(li == g, idx + bi * NG, 0)
        return 0

    lax.fori_loop(0, TOPG, body, 0)


def _topg(gmax):
    return pl.pallas_call(
        _topg_kernel,
        out_shape=jax.ShapeDtypeStruct((B, 64), jnp.int32),
        scratch_shapes=[pltpu.VMEM((B, NG), jnp.float32)],
    )(gmax)


def _sc_gather(table, idx, rows_per_chunk):
    n, d = len(idx), table.shape[1]
    per_w = n // NW
    nchunk = per_w // rows_per_chunk
    assert per_w % rows_per_chunk == 0 and per_w % 8 == 0
    mesh = plsc.VectorSubcoreMesh(core_axis_name="c", subcore_axis_name="s")

    @functools.partial(
        pl.kernel,
        out_type=jax.ShapeDtypeStruct((n, d), jnp.float32),
        mesh=mesh,
        scratch_types=[
            pltpu.VMEM((per_w,), jnp.int32),
            pltpu.VMEM((rows_per_chunk, d), jnp.float32),
            pltpu.SemaphoreType.DMA,
        ],
    )
    def k(table_hbm, idx_hbm, out_hbm, idx_v, rows_v, sem):
        wid = lax.axis_index("s") * SC_CORES + lax.axis_index("c")
        base = wid * per_w
        pltpu.sync_copy(idx_hbm.at[pl.ds(base, per_w)], idx_v)

        def chunk(c, _):
            off = c * rows_per_chunk
            pltpu.async_copy(
                table_hbm.at[idx_v.at[pl.ds(off, rows_per_chunk)]],
                rows_v, sem).wait()
            pltpu.sync_copy(rows_v, out_hbm.at[pl.ds(base + off, rows_per_chunk)])
            return 0

        lax.fori_loop(0, nchunk, chunk, 0)

    return k(table, idx)


def _topk_kernel(cv_ref, tg_ref, out_ref, w_ref):
    i = pl.program_id(0)
    bi = lax.broadcasted_iota(jnp.int32, (BB5, TOPG), 0) + i * BB5
    graw = tg_ref[...] - bi * NG
    cidx = (graw[:, :, None] * GS
            + lax.broadcasted_iota(jnp.int32, (BB5, TOPG, GS), 2))
    li = lax.broadcasted_iota(jnp.int32, (BB5, K), 1)

    w_ref[...] = cv_ref[...]
    vals, idxs = [], []
    for _ in range(5):
        w = w_ref[...]
        m = jnp.max(w, axis=2)
        ix = jnp.min(jnp.where(w == m[:, :, None], cidx, _IBIG), axis=2)
        w_ref[...] = jnp.where(cidx == ix[:, :, None], _NEG, w)
        vals.append(m)
        idxs.append(ix)
    cv2 = jnp.concatenate(vals, axis=1)
    ci2 = jnp.concatenate(idxs, axis=1)

    outv = jnp.zeros((BB5, K), jnp.int32)
    w2 = cv2
    v32 = None
    for t in range(K):
        m = jnp.max(w2, axis=1, keepdims=True)
        ix = jnp.min(jnp.where(w2 == m, ci2, _IBIG), axis=1, keepdims=True)
        w2 = jnp.where(ci2 == ix, _NEG, w2)
        outv += jnp.where(li == t, ix, 0)
        v32 = m
    out_ref[...] = outv

    flag = jnp.any(vals[4] >= v32)

    @pl.when(flag)
    def _():
        w_ref[...] = cv_ref[...]
        out_ref[...] = jnp.zeros((BB5, K), jnp.int32)

        def body(t, _):
            w = w_ref[...]
            m = jnp.max(jnp.max(w, axis=2), axis=1)[:, None, None]
            cand = jnp.where(w == m, cidx, _IBIG)
            idx = jnp.min(jnp.min(cand, axis=2), axis=1)[:, None]
            w_ref[...] = jnp.where(cidx == idx[:, :, None], _NEG, w)
            out_ref[...] += jnp.where(li == t, idx, 0)
            return 0

        lax.fori_loop(0, K, body, 0)


def _topk(candv, topg):
    grid = B // BB5
    return pl.pallas_call(
        _topk_kernel,
        grid=(grid,),
        in_specs=[
            pl.BlockSpec((BB5, TOPG, GS), lambda i: (i, 0, 0)),
            pl.BlockSpec((BB5, TOPG), lambda i: (i, 0)),
        ],
        out_specs=pl.BlockSpec((BB5, K), lambda i: (i, 0)),
        out_shape=jax.ShapeDtypeStruct((B, K), jnp.int32),
        scratch_shapes=[pltpu.VMEM((BB5, TOPG, GS), jnp.float32)],
    )(candv, topg)


def _integrate_kernel(rows_ref, s0_ref, wi_ref, bi_ref, ws0_ref, sym_ref):
    ctx = jnp.sum(rows_ref[...], axis=1) * (1.0 / K)
    comb = jnp.concatenate([s0_ref[...], ctx], axis=1)
    ws0 = jnp.dot(comb, wi_ref[...]) + bi_ref[...]
    ws0_ref[...] = ws0
    sym_ref[...] = jnp.sum((ws0 > 0.5).astype(jnp.int32), axis=1,
                           keepdims=True)


def _integrate(rows, s0, W_int, b_int):
    grid = B // BB
    full = lambda shape: pl.BlockSpec(shape, lambda i: tuple(0 for _ in shape))
    return pl.pallas_call(
        _integrate_kernel,
        grid=(grid,),
        in_specs=[
            pl.BlockSpec((BB, K, D0), lambda i: (i, 0, 0)),
            pl.BlockSpec((BB, D0), lambda i: (i, 0)),
            full((2 * D0, D0)), full((1, D0)),
        ],
        out_specs=[
            pl.BlockSpec((BB, D0), lambda i: (i, 0)),
            pl.BlockSpec((BB, 1), lambda i: (i, 0)),
        ],
        out_shape=[
            jax.ShapeDtypeStruct((B, D0), jnp.float32),
            jax.ShapeDtypeStruct((B, 1), jnp.int32),
        ],
    )(rows, s0, W_int, b_int.reshape(1, D0))


def _winner_kernel(wc_ref, wr_ref, out_ref):
    eq = wc_ref[...] == wr_ref[...]
    ji = lax.broadcasted_iota(jnp.int32, (B, B), 1)
    out_ref[...] = jnp.max(jnp.where(eq, ji, -1), axis=1, keepdims=True)


def _winner(write_idx):
    return pl.pallas_call(
        _winner_kernel,
        out_shape=jax.ShapeDtypeStruct((B, 1), jnp.int32),
    )(write_idx.reshape(B, 1), write_idx.reshape(1, B))


def _scatter_kernel(mem_ref, ws0_ref, widx_ref, win_ref, out_ref, sem):
    def fire(b, _):
        wb = win_ref[b]
        t = widx_ref[b]
        pltpu.make_async_copy(ws0_ref.at[pl.ds(wb, 1), :],
                              out_ref.at[pl.ds(t, 1), :], sem).start()
        return 0

    lax.fori_loop(0, B, fire, 0)

    def drain(b, _):
        pltpu.make_async_copy(ws0_ref.at[pl.ds(0, 1), :],
                              out_ref.at[pl.ds(0, 1), :], sem).wait()
        return 0

    lax.fori_loop(0, B, drain, 0)


def _scatter(mem, ws0, write_idx, winner):
    return pl.pallas_call(
        _scatter_kernel,
        in_specs=[
            pl.BlockSpec(memory_space=pltpu.MemorySpace.HBM),
            pl.BlockSpec((B, D0), lambda: (0, 0)),
            pl.BlockSpec(memory_space=pltpu.MemorySpace.SMEM),
            pl.BlockSpec(memory_space=pltpu.MemorySpace.SMEM),
        ],
        out_specs=pl.BlockSpec(memory_space=pltpu.MemorySpace.HBM),
        out_shape=jax.ShapeDtypeStruct((M, D0), jnp.float32),
        scratch_shapes=[pltpu.SemaphoreType.DMA],
        input_output_aliases={0: 0},
    )(mem, ws0, write_idx, winner)


def kernel(x, mem, write_idx, W_enc0, b_enc0, W_l1, b_l1, W_l2, b_l2,
           W_int, b_int, action_proto):
    s0, qn, s1, s2, belief, ba, befe, fe = _encode(
        x, W_enc0, b_enc0, W_l1, b_l1, W_l2, b_l2, action_proto)

    sims, gmax, mem0 = _sims(qn, mem)

    topg = _topg(gmax)[:, :TOPG]

    candv = _sc_gather(sims.reshape(B * NG, GS), topg.reshape(B * TOPG),
                       rows_per_chunk=min(640, B * TOPG // NW))
    candv = candv.reshape(B, TOPG, GS)

    topidx = _topk(candv, topg)

    rows = _sc_gather(mem, topidx.reshape(B * K), rows_per_chunk=256)
    rows = rows.reshape(B, K, D0)

    ws0, sym = _integrate(rows, s0, W_int, b_int)

    winner = _winner(write_idx.astype(jnp.int32))
    new_mem = _scatter(mem0, ws0, write_idx.astype(jnp.int32),
                       winner.reshape(B))

    return (ws0, s1, s2, fe.reshape(()), ba.reshape(B), belief,
            befe.reshape(B), sym.reshape(B), new_mem)

# --- scband reference (transcript-rebuilt; emitter-appended) ---
"""Pipeline reference for scband-speengine-80985903333707 (READ-ONLY COPY).

The authoritative reference and input builder live on the scoring server;
editing this copy changes nothing except your own understanding.
"""

import jax, jax.numpy as jnp
import numpy as np

B, S, D0, D1, D2 = 1024, 20, 256, 128, 64
M, K, A = 65536, 32, 16


def setup_inputs(seed: int = 0) -> dict:
    key = jax.random.key(seed)
    ks = jax.random.split(key, 10)
    sc = lambda k, sh: jax.random.normal(k, sh, dtype=jnp.float32) * (1.0 / np.sqrt(sh[0]))
    inp = {}
    inp["x"] = jax.random.normal(ks[0], (B, S, D0), dtype=jnp.float32)
    inp["mem"] = jax.random.normal(ks[1], (M, D0), dtype=jnp.float32)
    inp["write_idx"] = jax.random.randint(ks[2], (B,), 0, M)
    inp["W_enc0"] = sc(ks[3], (D0, D0)); inp["b_enc0"] = jnp.zeros((D0,), jnp.float32)
    inp["W_l1"] = sc(ks[4], (D0, D1)); inp["b_l1"] = jnp.zeros((D1,), jnp.float32)
    inp["W_l2"] = sc(ks[5], (D1, D2)); inp["b_l2"] = jnp.zeros((D2,), jnp.float32)
    inp["W_int"] = sc(ks[6], (2 * D0, D0)); inp["b_int"] = jnp.zeros((D0,), jnp.float32)
    inp["action_proto"] = jax.random.normal(ks[7], (A, D2), dtype=jnp.float32)
    return inp


def reference(x, mem, write_idx, W_enc0, b_enc0, W_l1, b_l1, W_l2, b_l2, W_int, b_int, action_proto):
    # --- HierarchicalWorldModel: pooled encoding -> 3-level latent hierarchy ---
    pooled = x.mean(axis=1)                       # (B, D0)
    s0 = jnp.tanh(pooled @ W_enc0 + b_enc0)       # level-0 world state (B, D0)
    s1 = jnp.tanh(s0 @ W_l1 + b_l1)               # (B, D1)
    s2 = jnp.tanh(s1 @ W_l2 + b_l2)               # (B, D2)
    free_energy = 0.5 * (jnp.mean(s0 ** 2) + jnp.mean(s1 ** 2) + jnp.mean(s2 ** 2))
    # --- CompressedLatentMemoryGraph.retrieve: cosine-sim top-k gather ---
    qn = s0 / (jnp.linalg.norm(s0, axis=-1, keepdims=True) + 1e-6)
    mn = mem / (jnp.linalg.norm(mem, axis=-1, keepdims=True) + 1e-6)
    sims = qn @ mn.T                              # (B, M)
    _, top_idx = jax.lax.top_k(sims, K)           # (B, K)
    memories = jnp.take(mem, top_idx, axis=0)     # gather (B, K, D0)
    mem_ctx = memories.mean(axis=1)               # (B, D0)
    # --- mem_integrator: Linear(2*D0 -> D0) on [ws0 ; mem_ctx] ---
    combined = jnp.concatenate([s0, mem_ctx], axis=-1)
    ws0 = combined @ W_int + b_int                # updated world_states[0]
    # --- CLMG.store: scatter-overwrite detached states into memory bank ---
    new_mem = mem.at[write_idx].set(jax.lax.stop_gradient(ws0))
    # --- NSAL.process: symbolic activation counts ---
    symbolic = jnp.sum(ws0 > 0.5, axis=-1)
    # --- ActiveInferenceController: expected free energy per action ---
    efe = jnp.sum((s2[:, None, :] - action_proto[None, :, :]) ** 2, axis=-1)  # (B, A)
    belief = jax.nn.softmax(-efe, axis=-1)
    best_action = jnp.argmin(efe, axis=-1)
    best_efe = jnp.min(efe, axis=-1)
    return ws0, s1, s2, free_energy, best_action, belief, best_efe, symbolic, new_mem

if __name__ == "__main__":
    import jax
    _d = setup_inputs()
    print(jax.jit(kernel)(*tuple(_d.values())))

</pallas_src>

<mosaic_0001>
#map = affine_map<(d0, d1) -> (0, 0)>
#map1 = affine_map<(d0, d1) -> (0)>
module attributes {stable_mosaic.version = 14 : i64} {
  func.func @k(%arg0: i32, %arg1: i32, %arg2: memref<65536x256xf32, #tpu.memory_space<hbm>>, %arg3: memref<32768xi32, #tpu.memory_space<hbm>>, %arg4: memref<32768x256xf32, #tpu.memory_space<hbm>>, %arg5: memref<1024xi32, #tpu.memory_space<vmem>>, %arg6: memref<256x256xf32, #tpu.memory_space<vmem>>, %arg7: memref<!tpu.dma_semaphore, #tpu.memory_space<semaphore_mem>>) attributes {dimension_semantics = [#tpu.dimension_semantics<core_parallel>, #tpu.dimension_semantics<subcore_parallel>], iteration_bounds = array<i64: 2, 16>, scalar_prefetch = 0 : i64, scratch_operands = 3 : i64, tpu.core_type = #tpu.core_type<sc_vector_subcore>, window_params = [{transform_indices = #map}, {transform_indices = #map1}, {transform_indices = #map}]} {
    %mul3A = arith.constant 2 : i32
    %mul3A_0 = arith.muli %arg1, %mul3A : i32
    %add3A = arith.addi %mul3A_0, %arg0 : i32
    %mul3A_1 = arith.constant 1024 : i32
    %mul3A_2 = arith.muli %add3A, %mul3A_1 : i32
    "tpu.region"() ({
      %run_scoped3A = tpu.sem_alloc : memref<!tpu.dma_semaphore, #tpu.memory_space<semaphore_mem>>
      %dma_start3A = tpu.memref_slice %arg3[%mul3A_2] : memref<32768xi32, #tpu.memory_space<hbm>> -> memref<1024xi32, #tpu.memory_space<hbm>>
      %dma_start3A_9 = tpu.memref_slice %arg3[%mul3A_2] : memref<32768xi32, #tpu.memory_space<hbm>> -> memref<1024xi32, #tpu.memory_space<hbm>>
      tpu.enqueue_dma source(%dma_start3A_9 : memref<1024xi32, #tpu.memory_space<hbm>>) target(%arg5 : memref<1024xi32, #tpu.memory_space<vmem>>) target_semaphore(%run_scoped3A : memref<!tpu.dma_semaphore, #tpu.memory_space<semaphore_mem>>)
      %dma_wait3A = tpu.memref_slice %arg3[%mul3A_2] : memref<32768xi32, #tpu.memory_space<hbm>> -> memref<1024xi32, #tpu.memory_space<hbm>>
      %dma_wait3A_10 = tpu.memref_slice %arg3[%mul3A_2] : memref<32768xi32, #tpu.memory_space<hbm>> -> memref<1024xi32, #tpu.memory_space<hbm>>
      tpu.wait_dma2 semaphore(%run_scoped3A : memref<!tpu.dma_semaphore, #tpu.memory_space<semaphore_mem>>) src(%dma_wait3A_10 : memref<1024xi32, #tpu.memory_space<hbm>>) dst(%arg5 : memref<1024xi32, #tpu.memory_space<vmem>>)
      tpu.yield
    }) : () -> ()
    %scan3A = arith.constant 0 : i32
    %scan3A_3 = arith.constant 0 : i32
    %scan3A_4 = arith.constant 4 : i32
    %scan3A_5 = arith.addi %scan3A_3, %scan3A_4 : i32
    %scan3A_6 = arith.constant 1 : i32
    %scan3A_7 = scf.for %scan3A_9 = %scan3A_3 to %scan3A_5 step %scan3A_6 iter_args(%scan3A_10 = %scan3A) -> (i32)  : i32 {
      %mul3A_11 = arith.constant 256 : i32
      %mul3A_12 = arith.muli %scan3A_9, %mul3A_11 : i32
      %dma_start3A = tpu.memref_slice %arg5[%mul3A_12] : memref<1024xi32, #tpu.memory_space<vmem>> -> memref<256xi32, #tpu.memory_space<vmem>>
      %dma_start3A_13 = arith.constant 0 : i32
      %dma_start3A_14 = arith.constant 0 : i32
      %dma_start3A_15 = tpu.memref_slice %arg2[%dma_start3A_13, %dma_start3A_14] : memref<65536x256xf32, #tpu.memory_space<hbm>> -> memref<65536x256xf32, #tpu.memory_space<hbm>>
      tpu.enqueue_indirect_dma source(%dma_start3A_15 : memref<65536x256xf32, #tpu.memory_space<hbm>>) target(%arg6 : memref<256x256xf32, #tpu.memory_space<vmem>>) offsets(%dma_start3A : memref<256xi32, #tpu.memory_space<vmem>>) semaphore(%arg7 : memref<!tpu.dma_semaphore, #tpu.memory_space<semaphore_mem>>)
      %dma_wait3A = tpu.memref_slice %arg5[%mul3A_12] : memref<1024xi32, #tpu.memory_space<vmem>> -> memref<256xi32, #tpu.memory_space<vmem>>
      %dma_wait3A_16 = arith.constant 0 : i32
      %dma_wait3A_17 = arith.constant 0 : i32
      %dma_wait3A_18 = tpu.memref_slice %arg2[%dma_wait3A_16, %dma_wait3A_17] : memref<65536x256xf32, #tpu.memory_space<hbm>> -> memref<65536x256xf32, #tpu.memory_space<hbm>>
      tpu.wait_indirect_dma semaphore(%arg7 : memref<!tpu.dma_semaphore, #tpu.memory_space<semaphore_mem>>) src(%dma_wait3A_18 : memref<65536x256xf32, #tpu.memory_space<hbm>>) dst(%arg6 : memref<256x256xf32, #tpu.memory_space<vmem>>)
      %add3A_19 = arith.addi %mul3A_2, %mul3A_12 : i32
      "tpu.region"() ({
        %run_scoped3A = tpu.sem_alloc : memref<!tpu.dma_semaphore, #tpu.memory_space<semaphore_mem>>
        %dma_start3A_21 = arith.constant 0 : i32
        %dma_start3A_22 = tpu.memref_slice %arg4[%add3A_19, %dma_start3A_21] : memref<32768x256xf32, #tpu.memory_space<hbm>> -> memref<256x256xf32, #tpu.memory_space<hbm>>
        %dma_start3A_23 = arith.constant 0 : i32
        %dma_start3A_24 = tpu.memref_slice %arg4[%add3A_19, %dma_start3A_23] : memref<32768x256xf32, #tpu.memory_space<hbm>> -> memref<256x256xf32, #tpu.memory_space<hbm>>
        tpu.enqueue_dma source(%arg6 : memref<256x256xf32, #tpu.memory_space<vmem>>) target(%dma_start3A_24 : memref<256x256xf32, #tpu.memory_space<hbm>>) target_semaphore(%run_scoped3A : memref<!tpu.dma_semaphore, #tpu.memory_space<semaphore_mem>>)
        %dma_wait3A_25 = arith.constant 0 : i32
        %dma_wait3A_26 = tpu.memref_slice %arg4[%add3A_19, %dma_wait3A_25] : memref<32768x256xf32, #tpu.memory_space<hbm>> -> memref<256x256xf32, #tpu.memory_space<hbm>>
        %dma_wait3A_27 = arith.constant 0 : i32
        %dma_wait3A_28 = tpu.memref_slice %arg4[%add3A_19, %dma_wait3A_27] : memref<32768x256xf32, #tpu.memory_space<hbm>> -> memref<256x256xf32, #tpu.memory_space<hbm>>
        tpu.wait_dma2 semaphore(%run_scoped3A : memref<!tpu.dma_semaphore, #tpu.memory_space<semaphore_mem>>) src(%arg6 : memref<256x256xf32, #tpu.memory_space<vmem>>) dst(%dma_wait3A_28 : memref<256x256xf32, #tpu.memory_space<hbm>>)
        tpu.yield
      }) : () -> ()
      %scan3A_20 = arith.constant 0 : i32
      scf.yield %scan3A_20 : i32
    }
    %scan3A_8 = arith.constant 4 : i32
    return
  }
}

#map = affine_map<(d0, d1) -> (0, 0)>
#map1 = affine_map<(d0, d1) -> (0)>
module attributes {stable_mosaic.version = 14 : i64} {
  func.func @k(%arg0: i32, %arg1: i32, %arg2: memref<524288x128xf32, #tpu.memory_space<hbm>>, %arg3: memref<40960xi32, #tpu.memory_space<hbm>>, %arg4: memref<40960x128xf32, #tpu.memory_space<hbm>>, %arg5: memref<1280xi32, #tpu.memory_space<vmem>>, %arg6: memref<640x128xf32, #tpu.memory_space<vmem>>, %arg7: memref<!tpu.dma_semaphore, #tpu.memory_space<semaphore_mem>>) attributes {dimension_semantics = [#tpu.dimension_semantics<core_parallel>, #tpu.dimension_semantics<subcore_parallel>], iteration_bounds = array<i64: 2, 16>, scalar_prefetch = 0 : i64, scratch_operands = 3 : i64, tpu.core_type = #tpu.core_type<sc_vector_subcore>, window_params = [{transform_indices = #map}, {transform_indices = #map1}, {transform_indices = #map}]} {
    %mul3A = arith.constant 2 : i32
    %mul3A_0 = arith.muli %arg1, %mul3A : i32
    %add3A = arith.addi %mul3A_0, %arg0 : i32
    %mul3A_1 = arith.constant 1280 : i32
    %mul3A_2 = arith.muli %add3A, %mul3A_1 : i32
    "tpu.region"() ({
      %run_scoped3A = tpu.sem_alloc : memref<!tpu.dma_semaphore, #tpu.memory_space<semaphore_mem>>
      %dma_start3A = tpu.memref_slice %arg3[%mul3A_2] : memref<40960xi32, #tpu.memory_space<hbm>> -> memref<1280xi32, #tpu.memory_space<hbm>>
      %dma_start3A_9 = tpu.memref_slice %arg3[%mul3A_2] : memref<40960xi32, #tpu.memory_space<hbm>> -> memref<1280xi32, #tpu.memory_space<hbm>>
      tpu.enqueue_dma source(%dma_start3A_9 : memref<1280xi32, #tpu.memory_space<hbm>>) target(%arg5 : memref<1280xi32, #tpu.memory_space<vmem>>) target_semaphore(%run_scoped3A : memref<!tpu.dma_semaphore, #tpu.memory_space<semaphore_mem>>)
      %dma_wait3A = tpu.memref_slice %arg3[%mul3A_2] : memref<40960xi32, #tpu.memory_space<hbm>> -> memref<1280xi32, #tpu.memory_space<hbm>>
      %dma_wait3A_10 = tpu.memref_slice %arg3[%mul3A_2] : memref<40960xi32, #tpu.memory_space<hbm>> -> memref<1280xi32, #tpu.memory_space<hbm>>
      tpu.wait_dma2 semaphore(%run_scoped3A : memref<!tpu.dma_semaphore, #tpu.memory_space<semaphore_mem>>) src(%dma_wait3A_10 : memref<1280xi32, #tpu.memory_space<hbm>>) dst(%arg5 : memref<1280xi32, #tpu.memory_space<vmem>>)
      tpu.yield
    }) : () -> ()
    %scan3A = arith.constant 0 : i32
    %scan3A_3 = arith.constant 0 : i32
    %scan3A_4 = arith.constant 2 : i32
    %scan3A_5 = arith.addi %scan3A_3, %scan3A_4 : i32
    %scan3A_6 = arith.constant 1 : i32
    %scan3A_7 = scf.for %scan3A_9 = %scan3A_3 to %scan3A_5 step %scan3A_6 iter_args(%scan3A_10 = %scan3A) -> (i32)  : i32 {
      %mul3A_11 = arith.constant 640 : i32
      %mul3A_12 = arith.muli %scan3A_9, %mul3A_11 : i32
      %dma_start3A = tpu.memref_slice %arg5[%mul3A_12] : memref<1280xi32, #tpu.memory_space<vmem>> -> memref<640xi32, #tpu.memory_space<vmem>>
      %dma_start3A_13 = arith.constant 0 : i32
      %dma_start3A_14 = arith.constant 0 : i32
      %dma_start3A_15 = tpu.memref_slice %arg2[%dma_start3A_13, %dma_start3A_14] : memref<524288x128xf32, #tpu.memory_space<hbm>> -> memref<524288x128xf32, #tpu.memory_space<hbm>>
      tpu.enqueue_indirect_dma source(%dma_start3A_15 : memref<524288x128xf32, #tpu.memory_space<hbm>>) target(%arg6 : memref<640x128xf32, #tpu.memory_space<vmem>>) offsets(%dma_start3A : memref<640xi32, #tpu.memory_space<vmem>>) semaphore(%arg7 : memref<!tpu.dma_semaphore, #tpu.memory_space<semaphore_mem>>)
      %dma_wait3A = tpu.memref_slice %arg5[%mul3A_12] : memref<1280xi32, #tpu.memory_space<vmem>> -> memref<640xi32, #tpu.memory_space<vmem>>
      %dma_wait3A_16 = arith.constant 0 : i32
      %dma_wait3A_17 = arith.constant 0 : i32
      %dma_wait3A_18 = tpu.memref_slice %arg2[%dma_wait3A_16, %dma_wait3A_17] : memref<524288x128xf32, #tpu.memory_space<hbm>> -> memref<524288x128xf32, #tpu.memory_space<hbm>>
      tpu.wait_indirect_dma semaphore(%arg7 : memref<!tpu.dma_semaphore, #tpu.memory_space<semaphore_mem>>) src(%dma_wait3A_18 : memref<524288x128xf32, #tpu.memory_space<hbm>>) dst(%arg6 : memref<640x128xf32, #tpu.memory_space<vmem>>)
      %add3A_19 = arith.addi %mul3A_2, %mul3A_12 : i32
      "tpu.region"() ({
        %run_scoped3A = tpu.sem_alloc : memref<!tpu.dma_semaphore, #tpu.memory_space<semaphore_mem>>
        %dma_start3A_21 = arith.constant 0 : i32
        %dma_start3A_22 = tpu.memref_slice %arg4[%add3A_19, %dma_start3A_21] : memref<40960x128xf32, #tpu.memory_space<hbm>> -> memref<640x128xf32, #tpu.memory_space<hbm>>
        %dma_start3A_23 = arith.constant 0 : i32
        %dma_start3A_24 = tpu.memref_slice %arg4[%add3A_19, %dma_start3A_23] : memref<40960x128xf32, #tpu.memory_space<hbm>> -> memref<640x128xf32, #tpu.memory_space<hbm>>
        tpu.enqueue_dma source(%arg6 : memref<640x128xf32, #tpu.memory_space<vmem>>) target(%dma_start3A_24 : memref<640x128xf32, #tpu.memory_space<hbm>>) target_semaphore(%run_scoped3A : memref<!tpu.dma_semaphore, #tpu.memory_space<semaphore_mem>>)
        %dma_wait3A_25 = arith.constant 0 : i32
        %dma_wait3A_26 = tpu.memref_slice %arg4[%add3A_19, %dma_wait3A_25] : memref<40960x128xf32, #tpu.memory_space<hbm>> -> memref<640x128xf32, #tpu.memory_space<hbm>>
        %dma_wait3A_27 = arith.constant 0 : i32
        %dma_wait3A_28 = tpu.memref_slice %arg4[%add3A_19, %dma_wait3A_27] : memref<40960x128xf32, #tpu.memory_space<hbm>> -> memref<640x128xf32, #tpu.memory_space<hbm>>
        tpu.wait_dma2 semaphore(%run_scoped3A : memref<!tpu.dma_semaphore, #tpu.memory_space<semaphore_mem>>) src(%arg6 : memref<640x128xf32, #tpu.memory_space<vmem>>) dst(%dma_wait3A_28 : memref<640x128xf32, #tpu.memory_space<hbm>>)
        tpu.yield
      }) : () -> ()
      %scan3A_20 = arith.constant 0 : i32
      scf.yield %scan3A_20 : i32
    }
    %scan3A_8 = arith.constant 2 : i32
    return
  }
}

module attributes {stable_mosaic.version = 14 : i64} {
  func.func @_sims_kernel(%arg0: i32, %arg1: memref<1024x256xf32, #tpu.memory_space<vmem>>, %arg2: memref<2048x256xf32, #tpu.memory_space<vmem>>, %arg3: memref<1024x2048xf32, #tpu.memory_space<vmem>>, %arg4: memref<1024x512xf32, #tpu.memory_space<vmem>>, %arg5: memref<2048x256xf32, #tpu.memory_space<vmem>>) attributes {dimension_semantics = [#tpu.dimension_semantics<arbitrary>], iteration_bounds = array<i64: 32>, scalar_prefetch = 0 : i64, scratch_operands = 0 : i64, tpu.core_type = #tpu.core_type<tc>, window_params = [{pipeline_mode = #tpu.pipeline_mode<synchronous>, transform_indices = @transform_0, window_bounds = array<i64: 1024, 256>}, {transform_indices = @transform_1, window_bounds = array<i64: 2048, 256>}, {transform_indices = @transform_2, window_bounds = array<i64: 1024, 2048>}, {pipeline_mode = #tpu.pipeline_mode<synchronous>, transform_indices = @transform_3, window_bounds = array<i64: 1024, 512>}, {transform_indices = @transform_4, window_bounds = array<i64: 2048, 256>}]} {
    %get3A = arith.constant 0 : index
    %get3A_0 = arith.constant 0 : index
    %get3A_1 = vector.load %arg2[%get3A, %get3A_0] : memref<2048x256xf32, #tpu.memory_space<vmem>>, vector<2048x256xf32>
    %swap3A = arith.constant 0 : index
    %swap3A_2 = arith.constant 0 : index
    %swap3A_3 = vector.load %arg5[%swap3A, %swap3A_2] : memref<2048x256xf32, #tpu.memory_space<vmem>>, vector<2048x256xf32>
    tpu.vector_store %arg5[%swap3A, %swap3A_2], %get3A_1 {strides = array<i32>} : memref<2048x256xf32, #tpu.memory_space<vmem>>, vector<2048x256xf32>,
    %mul3A = arith.mulf %get3A_1, %get3A_1 : vector<2048x256xf32>
    %reduce_sum3A = arith.constant dense<0.000000e+00> : vector<2048xf32>
    %reduce_sum3A_4 = vector.multi_reduction <add>, %mul3A, %reduce_sum3A [1] : vector<2048x256xf32> to vector<2048xf32>
    %broadcast_in_dim3A = vector.shape_cast %reduce_sum3A_4 : vector<2048xf32> to vector<2048x1xf32>
    %sqrt3A = math.sqrt %broadcast_in_dim3A : vector<2048x1xf32>
    %add3A = arith.constant 9.99999997E-7 : f32
    %add3A_5 = vector.broadcast %add3A : f32 to vector<2048x1xf32>
    %add3A_6 = arith.addf %sqrt3A, %add3A_5 : vector<2048x1xf32>
    %div3A = vector.broadcast %add3A_6 : vector<2048x1xf32> to vector<2048x256xf32>
    %div3A_7 = arith.divf %get3A_1, %div3A : vector<2048x256xf32>
    %get3A_8 = arith.constant 0 : index
    %get3A_9 = arith.constant 0 : index
    %get3A_10 = vector.load %arg1[%get3A_8, %get3A_9] : memref<1024x256xf32, #tpu.memory_space<vmem>>, vector<1024x256xf32>
    %dot_general3A = arith.constant dense<0.000000e+00> : vector<1024x2048xf32>
    %dot_general3A_11 = tpu.matmul %get3A_10, %div3A_7, %dot_general3A {dimension_numbers = #tpu.dot_dimension_numbers<[1], [1], [0], [0], [0, 0, 1, 0], [], []>, transpose_lhs_hint = false} : vector<1024x256xf32>, vector<2048x256xf32>, vector<1024x2048xf32> -> vector<1024x2048xf32>
    %swap3A_12 = arith.constant 0 : index
    %swap3A_13 = arith.constant 0 : index
    %swap3A_14 = vector.load %arg3[%swap3A_12, %swap3A_13] : memref<1024x2048xf32, #tpu.memory_space<vmem>>, vector<1024x2048xf32>
    tpu.vector_store %arg3[%swap3A_12, %swap3A_13], %dot_general3A_11 {strides = array<i32>} : memref<1024x2048xf32, #tpu.memory_space<vmem>>, vector<1024x2048xf32>,
    %reshape3A = vector.shape_cast %dot_general3A_11 : vector<1024x2048xf32> to vector<1024x16x128xf32>
    %reduce_max3A = arith.constant dense<0xFF800000> : vector<1024x16xf32>
    %reduce_max3A_15 = vector.multi_reduction <maximumf>, %reshape3A, %reduce_max3A [2] : vector<1024x16x128xf32> to vector<1024x16xf32>
    %iota3A = tpu.iota {dimensions = array<i32: 0>} : vector<16x512xi32>
    %iota3A_16 = tpu.iota {dimensions = array<i32: 1>} : vector<16x512xi32>
    %mul3A_17 = arith.constant 16 : i32
    %mul3A_18 = arith.muli %arg0, %mul3A_17 : i32
    %add3A_19 = vector.broadcast %mul3A_18 : i32 to vector<16x512xi32>
    %add3A_20 = arith.addi %iota3A, %add3A_19 : vector<16x512xi32>
    %eq3A = arith.cmpi eq, %iota3A_16, %add3A_20 : vector<16x512xi32>
    %convert_element_type3A = arith.extui %eq3A : vector<16x512xi1> to vector<16x512xi32>
    %convert_element_type3A_21 = arith.sitofp %convert_element_type3A : vector<16x512xi32> to vector<16x512xf32>
    %dot_general3A_22 = arith.constant dense<0.000000e+00> : vector<1024x512xf32>
    %dot_general3A_23 = tpu.matmul %reduce_max3A_15, %convert_element_type3A_21, %dot_general3A_22 {dimension_numbers = #tpu.dot_dimension_numbers<[1], [0], [0], [1], [0, 0, 1, 1], [], []>, precision = #tpu.contract_precision<fp32>, transpose_lhs_hint = false} : vector<1024x16xf32>, vector<16x512xf32>, vector<1024x512xf32> -> vector<1024x512xf32>
    %eq3A_24 = arith.constant 0 : i32
    %eq3A_25 = arith.cmpi eq, %arg0, %eq3A_24 : i32
    %convert_element_type3A_26 = arith.extui %eq3A_25 : i1 to i32
    %cond3A = arith.constant 0 : i32
    %cond3A_27 = arith.cmpi ne, %convert_element_type3A_26, %cond3A : i32
    scf.if %cond3A_27 {
      %broadcast_in_dim3A_35 = arith.constant 0.000000e+00 : f32
      %broadcast_in_dim3A_36 = vector.broadcast %broadcast_in_dim3A_35 : f32 to vector<1024x512xf32>
      %swap3A_37 = arith.constant 0 : index
      %swap3A_38 = arith.constant 0 : index
      %swap3A_39 = vector.load %arg4[%swap3A_37, %swap3A_38] : memref<1024x512xf32, #tpu.memory_space<vmem>>, vector<1024x512xf32>
      tpu.vector_store %arg4[%swap3A_37, %swap3A_38], %broadcast_in_dim3A_36 {strides = array<i32>} : memref<1024x512xf32, #tpu.memory_space<vmem>>, vector<1024x512xf32>,
    } else {
    }
    %get3A_28 = arith.constant 0 : index
    %get3A_29 = arith.constant 0 : index
    %get3A_30 = vector.load %arg4[%get3A_28, %get3A_29] : memref<1024x512xf32, #tpu.memory_space<vmem>>, vector<1024x512xf32>
    %add3A_31 = arith.addf %get3A_30, %dot_general3A_23 : vector<1024x512xf32>
    %swap3A_32 = arith.constant 0 : index
    %swap3A_33 = arith.constant 0 : index
    %swap3A_34 = vector.load %arg4[%swap3A_32, %swap3A_33] : memref<1024x512xf32, #tpu.memory_space<vmem>>, vector<1024x512xf32>
    tpu.vector_store %arg4[%swap3A_32, %swap3A_33], %add3A_31 {strides = array<i32>} : memref<1024x512xf32, #tpu.memory_space<vmem>>, vector<1024x512xf32>,
    return
  }
  func.func @transform_0(%arg0: i32) -> (i32, i32) {
    %c0_i32 = arith.constant 0 : i32
    %c0_i32_0 = arith.constant 0 : i32
    %c0_i32_1 = arith.constant 0 : i32
    return %c0_i32, %c0_i32_0 : i32, i32
  }
  func.func @transform_1(%arg0: i32) -> (i32, i32) {
    %c0_i32 = arith.constant 0 : i32
    %c0_i32_0 = arith.constant 0 : i32
    return %arg0, %c0_i32 : i32, i32
  }
  func.func @transform_2(%arg0: i32) -> (i32, i32) {
    %c0_i32 = arith.constant 0 : i32
    %c0_i32_0 = arith.constant 0 : i32
    return %c0_i32, %arg0 : i32, i32
  }
  func.func @transform_3(%arg0: i32) -> (i32, i32) {
    %c0_i32 = arith.constant 0 : i32
    %c0_i32_0 = arith.constant 0 : i32
    %c0_i32_1 = arith.constant 0 : i32
    return %c0_i32, %c0_i32_0 : i32, i32
  }
  func.func @transform_4(%arg0: i32) -> (i32, i32) {
    %c0_i32 = arith.constant 0 : i32
    %c0_i32_0 = arith.constant 0 : i32
    return %arg0, %c0_i32 : i32, i32
  }
}

module attributes {stable_mosaic.version = 14 : i64} {
  func.func @_encode_kernel(%arg0: i32, %arg1: memref<128x20x256xf32, #tpu.memory_space<vmem>>, %arg2: memref<256x256xf32, #tpu.memory_space<vmem>>, %arg3: memref<1x256xf32, #tpu.memory_space<vmem>>, %arg4: memref<256x128xf32, #tpu.memory_space<vmem>>, %arg5: memref<1x128xf32, #tpu.memory_space<vmem>>, %arg6: memref<128x64xf32, #tpu.memory_space<vmem>>, %arg7: memref<1x64xf32, #tpu.memory_space<vmem>>, %arg8: memref<16x64xf32, #tpu.memory_space<vmem>>, %arg9: memref<128x256xf32, #tpu.memory_space<vmem>>, %arg10: memref<128x256xf32, #tpu.memory_space<vmem>>, %arg11: memref<128x128xf32, #tpu.memory_space<vmem>>, %arg12: memref<128x64xf32, #tpu.memory_space<vmem>>, %arg13: memref<128x16xf32, #tpu.memory_space<vmem>>, %arg14: memref<128x1xi32, #tpu.memory_space<vmem>>, %arg15: memref<128x1xf32, #tpu.memory_space<vmem>>, %arg16: memref<1x1xf32, #tpu.memory_space<vmem>>, %arg17: memref<3xf32, #tpu.memory_space<smem>>) attributes {dimension_semantics = [#tpu.dimension_semantics<arbitrary>], iteration_bounds = array<i64: 8>, scalar_prefetch = 0 : i64, scratch_operands = 1 : i64, tpu.core_type = #tpu.core_type<tc>, window_params = [{transform_indices = @transform_0, window_bounds = array<i64: 128, 20, 256>}, {pipeline_mode = #tpu.pipeline_mode<synchronous>, transform_indices = @transform_1, window_bounds = array<i64: 256, 256>}, {pipeline_mode = #tpu.pipeline_mode<synchronous>, transform_indices = @transform_2, window_bounds = array<i64: 1, 256>}, {pipeline_mode = #tpu.pipeline_mode<synchronous>, transform_indices = @transform_3, window_bounds = array<i64: 256, 128>}, {pipeline_mode = #tpu.pipeline_mode<synchronous>, transform_indices = @transform_4, window_bounds = array<i64: 1, 128>}, {pipeline_mode = #tpu.pipeline_mode<synchronous>, transform_indices = @transform_5, window_bounds = array<i64: 128, 64>}, {pipeline_mode = #tpu.pipeline_mode<synchronous>, transform_indices = @transform_6, window_bounds = array<i64: 1, 64>}, {pipeline_mode = #tpu.pipeline_mode<synchronous>, transform_indices = @transform_7, window_bounds = array<i64: 16, 64>}, {transform_indices = @transform_8, window_bounds = array<i64: 128, 256>}, {transform_indices = @transform_9, window_bounds = array<i64: 128, 256>}, {transform_indices = @transform_10, window_bounds = array<i64: 128, 128>}, {transform_indices = @transform_11, window_bounds = array<i64: 128, 64>}, {transform_indices = @transform_12, window_bounds = array<i64: 128, 16>}, {transform_indices = @transform_13, window_bounds = array<i64: 128, 1>}, {transform_indices = @transform_14, window_bounds = array<i64: 128, 1>}, {pipeline_mode = #tpu.pipeline_mode<synchronous>, transform_indices = @transform_15, window_bounds = array<i64: 1, 1>}]} {
    %get3A = arith.constant 0 : index
    %get3A_0 = arith.constant 0 : index
    %get3A_1 = arith.constant 0 : index
    %get3A_2 = vector.load %arg1[%get3A, %get3A_0, %get3A_1] : memref<128x20x256xf32, #tpu.memory_space<vmem>>, vector<128x20x256xf32>
    %reduce_sum3A = arith.constant dense<0.000000e+00> : vector<128x256xf32>
    %reduce_sum3A_3 = vector.multi_reduction <add>, %get3A_2, %reduce_sum3A [1] : vector<128x20x256xf32> to vector<128x256xf32>
    %div3A = arith.constant 2.000000e+01 : f32
    %div3A_4 = vector.broadcast %div3A : f32 to vector<128x256xf32>
    %div3A_5 = arith.divf %reduce_sum3A_3, %div3A_4 : vector<128x256xf32>
    %get3A_6 = arith.constant 0 : index
    %get3A_7 = arith.constant 0 : index
    %get3A_8 = vector.load %arg2[%get3A_6, %get3A_7] : memref<256x256xf32, #tpu.memory_space<vmem>>, vector<256x256xf32>
    %dot_general3A = arith.constant dense<0.000000e+00> : vector<128x256xf32>
    %dot_general3A_9 = tpu.matmul %div3A_5, %get3A_8, %dot_general3A {dimension_numbers = #tpu.dot_dimension_numbers<[1], [0], [0], [1], [0, 0, 1, 1], [], []>, transpose_lhs_hint = false} : vector<128x256xf32>, vector<256x256xf32>, vector<128x256xf32> -> vector<128x256xf32>
    %get3A_10 = arith.constant 0 : index
    %get3A_11 = arith.constant 0 : index
    %get3A_12 = vector.load %arg3[%get3A_10, %get3A_11] : memref<1x256xf32, #tpu.memory_space<vmem>>, vector<1x256xf32>
    %add3A = vector.broadcast %get3A_12 : vector<1x256xf32> to vector<128x256xf32>
    %add3A_13 = arith.addf %dot_general3A_9, %add3A : vector<128x256xf32>
    %tanh3A = math.tanh %add3A_13 : vector<128x256xf32>
    %get3A_14 = arith.constant 0 : index
    %get3A_15 = arith.constant 0 : index
    %get3A_16 = vector.load %arg4[%get3A_14, %get3A_15] : memref<256x128xf32, #tpu.memory_space<vmem>>, vector<256x128xf32>
    %dot_general3A_17 = arith.constant dense<0.000000e+00> : vector<128x128xf32>
    %dot_general3A_18 = tpu.matmul %tanh3A, %get3A_16, %dot_general3A_17 {dimension_numbers = #tpu.dot_dimension_numbers<[1], [0], [0], [1], [0, 0, 1, 1], [], []>, transpose_lhs_hint = false} : vector<128x256xf32>, vector<256x128xf32>, vector<128x128xf32> -> vector<128x128xf32>
    %get3A_19 = arith.constant 0 : index
    %get3A_20 = arith.constant 0 : index
    %get3A_21 = vector.load %arg5[%get3A_19, %get3A_20] : memref<1x128xf32, #tpu.memory_space<vmem>>, vector<1x128xf32>
    %add3A_22 = vector.broadcast %get3A_21 : vector<1x128xf32> to vector<128x128xf32>
    %add3A_23 = arith.addf %dot_general3A_18, %add3A_22 : vector<128x128xf32>
    %tanh3A_24 = math.tanh %add3A_23 : vector<128x128xf32>
    %get3A_25 = arith.constant 0 : index
    %get3A_26 = arith.constant 0 : index
    %get3A_27 = vector.load %arg6[%get3A_25, %get3A_26] : memref<128x64xf32, #tpu.memory_space<vmem>>, vector<128x64xf32>
    %dot_general3A_28 = arith.constant dense<0.000000e+00> : vector<128x64xf32>
    %dot_general3A_29 = tpu.matmul %tanh3A_24, %get3A_27, %dot_general3A_28 {dimension_numbers = #tpu.dot_dimension_numbers<[1], [0], [0], [1], [0, 0, 1, 1], [], []>, transpose_lhs_hint = false} : vector<128x128xf32>, vector<128x64xf32>, vector<128x64xf32> -> vector<128x64xf32>
    %get3A_30 = arith.constant 0 : index
    %get3A_31 = arith.constant 0 : index
    %get3A_32 = vector.load %arg7[%get3A_30, %get3A_31] : memref<1x64xf32, #tpu.memory_space<vmem>>, vector<1x64xf32>
    %add3A_33 = vector.broadcast %get3A_32 : vector<1x64xf32> to vector<128x64xf32>
    %add3A_34 = arith.addf %dot_general3A_29, %add3A_33 : vector<128x64xf32>
    %tanh3A_35 = math.tanh %add3A_34 : vector<128x64xf32>
    %swap3A = arith.constant 0 : index
    %swap3A_36 = arith.constant 0 : index
    %swap3A_37 = vector.load %arg9[%swap3A, %swap3A_36] : memref<128x256xf32, #tpu.memory_space<vmem>>, vector<128x256xf32>
    tpu.vector_store %arg9[%swap3A, %swap3A_36], %tanh3A {strides = array<i32>} : memref<128x256xf32, #tpu.memory_space<vmem>>, vector<128x256xf32>,
    %swap3A_38 = arith.constant 0 : index
    %swap3A_39 = arith.constant 0 : index
    %swap3A_40 = vector.load %arg11[%swap3A_38, %swap3A_39] : memref<128x128xf32, #tpu.memory_space<vmem>>, vector<128x128xf32>
    tpu.vector_store %arg11[%swap3A_38, %swap3A_39], %tanh3A_24 {strides = array<i32>} : memref<128x128xf32, #tpu.memory_space<vmem>>, vector<128x128xf32>,
    %swap3A_41 = arith.constant 0 : index
    %swap3A_42 = arith.constant 0 : index
    %swap3A_43 = vector.load %arg12[%swap3A_41, %swap3A_42] : memref<128x64xf32, #tpu.memory_space<vmem>>, vector<128x64xf32>
    tpu.vector_store %arg12[%swap3A_41, %swap3A_42], %tanh3A_35 {strides = array<i32>} : memref<128x64xf32, #tpu.memory_space<vmem>>, vector<128x64xf32>,
    %mul3A = arith.mulf %tanh3A, %tanh3A : vector<128x256xf32>
    %reduce_sum3A_44 = arith.constant dense<0.000000e+00> : vector<128xf32>
    %reduce_sum3A_45 = vector.multi_reduction <add>, %mul3A, %reduce_sum3A_44 [1] : vector<128x256xf32> to vector<128xf32>
    %broadcast_in_dim3A = vector.shape_cast %reduce_sum3A_45 : vector<128xf32> to vector<128x1xf32>
    %sqrt3A = math.sqrt %broadcast_in_dim3A : vector<128x1xf32>
    %add3A_46 = arith.constant 9.99999997E-7 : f32
    %add3A_47 = vector.broadcast %add3A_46 : f32 to vector<128x1xf32>
    %add3A_48 = arith.addf %sqrt3A, %add3A_47 : vector<128x1xf32>
    %div3A_49 = vector.broadcast %add3A_48 : vector<128x1xf32> to vector<128x256xf32>
    %div3A_50 = arith.divf %tanh3A, %div3A_49 : vector<128x256xf32>
    %swap3A_51 = arith.constant 0 : index
    %swap3A_52 = arith.constant 0 : index
    %swap3A_53 = vector.load %arg10[%swap3A_51, %swap3A_52] : memref<128x256xf32, #tpu.memory_space<vmem>>, vector<128x256xf32>
    tpu.vector_store %arg10[%swap3A_51, %swap3A_52], %div3A_50 {strides = array<i32>} : memref<128x256xf32, #tpu.memory_space<vmem>>, vector<128x256xf32>,
    %eq3A = arith.constant 0 : i32
    %eq3A_54 = arith.cmpi eq, %arg0, %eq3A : i32
    %convert_element_type3A = arith.extui %eq3A_54 : i1 to i32
    %cond3A = arith.constant 0 : i32
    %cond3A_55 = arith.cmpi ne, %convert_element_type3A, %cond3A : i32
    scf.if %cond3A_55 {
      %swap3A_135 = arith.constant 0.000000e+00 : f32
      %swap3A_136 = arith.constant 0 : index
      %swap3A_137 = memref.load %arg17[%swap3A_136] : memref<3xf32, #tpu.memory_space<smem>>
      memref.store %swap3A_135, %arg17[%swap3A_136] : memref<3xf32, #tpu.memory_space<smem>>
      %swap3A_138 = arith.constant 0.000000e+00 : f32
      %swap3A_139 = arith.constant 1 : index
      %swap3A_140 = memref.load %arg17[%swap3A_139] : memref<3xf32, #tpu.memory_space<smem>>
      memref.store %swap3A_138, %arg17[%swap3A_139] : memref<3xf32, #tpu.memory_space<smem>>
      %swap3A_141 = arith.constant 0.000000e+00 : f32
      %swap3A_142 = arith.constant 2 : index
      %swap3A_143 = memref.load %arg17[%swap3A_142] : memref<3xf32, #tpu.memory_space<smem>>
      memref.store %swap3A_141, %arg17[%swap3A_142] : memref<3xf32, #tpu.memory_space<smem>>
    } else {
    }
    %get3A_56 = arith.constant 0 : index
    %get3A_57 = memref.load %arg17[%get3A_56] : memref<3xf32, #tpu.memory_space<smem>>
    %mul3A_58 = arith.mulf %tanh3A, %tanh3A : vector<128x256xf32>
    %reduce_sum3A_59 = vector.shape_cast %mul3A_58 : vector<128x256xf32> to vector<1x128x256xf32>
    %reduce_sum3A_60 = arith.constant dense<0.000000e+00> : vector<1xf32>
    %reduce_sum3A_61 = vector.multi_reduction <add>, %reduce_sum3A_59, %reduce_sum3A_60 [1, 2] : vector<1x128x256xf32> to vector<1xf32>
    %reduce_sum3A_62 = vector.shape_cast %reduce_sum3A_61 : vector<1xf32> to vector<1x1x1xf32>
    %reduce_sum3A_63 = vector.extract %reduce_sum3A_62[0, 0, 0] : f32 from vector<1x1x1xf32>
    %add3A_64 = arith.addf %get3A_57, %reduce_sum3A_63 : f32
    %swap3A_65 = arith.constant 0 : index
    %swap3A_66 = memref.load %arg17[%swap3A_65] : memref<3xf32, #tpu.memory_space<smem>>
    memref.store %add3A_64, %arg17[%swap3A_65] : memref<3xf32, #tpu.memory_space<smem>>
    %get3A_67 = arith.constant 1 : index
    %get3A_68 = memref.load %arg17[%get3A_67] : memref<3xf32, #tpu.memory_space<smem>>
    %mul3A_69 = arith.mulf %tanh3A_24, %tanh3A_24 : vector<128x128xf32>
    %reduce_sum3A_70 = vector.shape_cast %mul3A_69 : vector<128x128xf32> to vector<1x128x128xf32>
    %reduce_sum3A_71 = arith.constant dense<0.000000e+00> : vector<1xf32>
    %reduce_sum3A_72 = vector.multi_reduction <add>, %reduce_sum3A_70, %reduce_sum3A_71 [1, 2] : vector<1x128x128xf32> to vector<1xf32>
    %reduce_sum3A_73 = vector.shape_cast %reduce_sum3A_72 : vector<1xf32> to vector<1x1x1xf32>
    %reduce_sum3A_74 = vector.extract %reduce_sum3A_73[0, 0, 0] : f32 from vector<1x1x1xf32>
    %add3A_75 = arith.addf %get3A_68, %reduce_sum3A_74 : f32
    %swap3A_76 = arith.constant 1 : index
    %swap3A_77 = memref.load %arg17[%swap3A_76] : memref<3xf32, #tpu.memory_space<smem>>
    memref.store %add3A_75, %arg17[%swap3A_76] : memref<3xf32, #tpu.memory_space<smem>>
    %get3A_78 = arith.constant 2 : index
    %get3A_79 = memref.load %arg17[%get3A_78] : memref<3xf32, #tpu.memory_space<smem>>
    %mul3A_80 = arith.mulf %tanh3A_35, %tanh3A_35 : vector<128x64xf32>
    %reduce_sum3A_81 = vector.shape_cast %mul3A_80 : vector<128x64xf32> to vector<1x128x64xf32>
    %reduce_sum3A_82 = arith.constant dense<0.000000e+00> : vector<1xf32>
    %reduce_sum3A_83 = vector.multi_reduction <add>, %reduce_sum3A_81, %reduce_sum3A_82 [1, 2] : vector<1x128x64xf32> to vector<1xf32>
    %reduce_sum3A_84 = vector.shape_cast %reduce_sum3A_83 : vector<1xf32> to vector<1x1x1xf32>
    %reduce_sum3A_85 = vector.extract %reduce_sum3A_84[0, 0, 0] : f32 from vector<1x1x1xf32>
    %add3A_86 = arith.addf %get3A_79, %reduce_sum3A_85 : f32
    %swap3A_87 = arith.constant 2 : index
    %swap3A_88 = memref.load %arg17[%swap3A_87] : memref<3xf32, #tpu.memory_space<smem>>
    memref.store %add3A_86, %arg17[%swap3A_87] : memref<3xf32, #tpu.memory_space<smem>>
    %eq3A_89 = arith.constant 7 : i32
    %eq3A_90 = arith.cmpi eq, %arg0, %eq3A_89 : i32
    %convert_element_type3A_91 = arith.extui %eq3A_90 : i1 to i32
    %cond3A_92 = arith.constant 0 : i32
    %cond3A_93 = arith.cmpi ne, %convert_element_type3A_91, %cond3A_92 : i32
    scf.if %cond3A_93 {
      %get3A_135 = arith.constant 0 : index
      %get3A_136 = memref.load %arg17[%get3A_135] : memref<3xf32, #tpu.memory_space<smem>>
      %div3A_137 = arith.constant 2.621440e+05 : f32
      %div3A_138 = arith.divf %get3A_136, %div3A_137 : f32
      %get3A_139 = arith.constant 1 : index
      %get3A_140 = memref.load %arg17[%get3A_139] : memref<3xf32, #tpu.memory_space<smem>>
      %div3A_141 = arith.constant 1.310720e+05 : f32
      %div3A_142 = arith.divf %get3A_140, %div3A_141 : f32
      %add3A_143 = arith.addf %div3A_138, %div3A_142 : f32
      %get3A_144 = arith.constant 2 : index
      %get3A_145 = memref.load %arg17[%get3A_144] : memref<3xf32, #tpu.memory_space<smem>>
      %div3A_146 = arith.constant 6.553600e+04 : f32
      %div3A_147 = arith.divf %get3A_145, %div3A_146 : f32
      %add3A_148 = arith.addf %add3A_143, %div3A_147 : f32
      %mul3A_149 = arith.constant 5.000000e-01 : f32
      %mul3A_150 = arith.mulf %mul3A_149, %add3A_148 : f32
      %broadcast_in_dim3A_151 = vector.broadcast %mul3A_150 : f32 to vector<1x1xf32>
      %swap3A_152 = arith.constant 0 : index
      %swap3A_153 = arith.constant 0 : index
      %swap3A_154 = vector.load %arg16[%swap3A_152, %swap3A_153] : memref<1x1xf32, #tpu.memory_space<vmem>>, vector<1x1xf32>
      tpu.vector_store %arg16[%swap3A_152, %swap3A_153], %broadcast_in_dim3A_151 {strides = array<i32>} : memref<1x1xf32, #tpu.memory_space<vmem>>, vector<1x1xf32>,
    } else {
    }
    %broadcast_in_dim3A_94 = vector.shape_cast %tanh3A_35 : vector<128x64xf32> to vector<128x1x64xf32>
    %get3A_95 = arith.constant 0 : index
    %get3A_96 = arith.constant 0 : index
    %get3A_97 = vector.load %arg8[%get3A_95, %get3A_96] : memref<16x64xf32, #tpu.memory_space<vmem>>, vector<16x64xf32>
    %broadcast_in_dim3A_98 = vector.shape_cast %get3A_97 : vector<16x64xf32> to vector<1x16x64xf32>
    %sub3A = vector.broadcast %broadcast_in_dim3A_94 : vector<128x1x64xf32> to vector<128x16x64xf32>
    %sub3A_99 = vector.broadcast %broadcast_in_dim3A_98 : vector<1x16x64xf32> to vector<128x16x64xf32>
    %sub3A_100 = arith.subf %sub3A, %sub3A_99 : vector<128x16x64xf32>
    %mul3A_101 = arith.mulf %sub3A_100, %sub3A_100 : vector<128x16x64xf32>
    %reduce_sum3A_102 = arith.constant dense<0.000000e+00> : vector<128x16xf32>
    %reduce_sum3A_103 = vector.multi_reduction <add>, %mul3A_101, %reduce_sum3A_102 [2] : vector<128x16x64xf32> to vector<128x16xf32>
    %neg3A = arith.constant 0.000000e+00 : f32
    %neg3A_104 = vector.broadcast %neg3A : f32 to vector<128x16xf32>
    %neg3A_105 = arith.subf %neg3A_104, %reduce_sum3A_103 : vector<128x16xf32>
    %reduce_max3A = arith.constant dense<0xFF800000> : vector<128xf32>
    %reduce_max3A_106 = vector.multi_reduction <maximumf>, %neg3A_105, %reduce_max3A [1] : vector<128x16xf32> to vector<128xf32>
    %broadcast_in_dim3A_107 = vector.shape_cast %reduce_max3A_106 : vector<128xf32> to vector<128x1xf32>
    %neg3A_108 = arith.constant 0.000000e+00 : f32
    %neg3A_109 = vector.broadcast %neg3A_108 : f32 to vector<128x16xf32>
    %neg3A_110 = arith.subf %neg3A_109, %reduce_sum3A_103 : vector<128x16xf32>
    %sub3A_111 = vector.broadcast %broadcast_in_dim3A_107 : vector<128x1xf32> to vector<128x16xf32>
    %sub3A_112 = arith.subf %neg3A_110, %sub3A_111 : vector<128x16xf32>
    %exp3A = math.exp %sub3A_112 : vector<128x16xf32>
    %reduce_sum3A_113 = arith.constant dense<0.000000e+00> : vector<128xf32>
    %reduce_sum3A_114 = vector.multi_reduction <add>, %exp3A, %reduce_sum3A_113 [1] : vector<128x16xf32> to vector<128xf32>
    %broadcast_in_dim3A_115 = vector.shape_cast %reduce_sum3A_114 : vector<128xf32> to vector<128x1xf32>
    %div3A_116 = vector.broadcast %broadcast_in_dim3A_115 : vector<128x1xf32> to vector<128x16xf32>
    %div3A_117 = arith.divf %exp3A, %div3A_116 : vector<128x16xf32>
    %swap3A_118 = arith.constant 0 : index
    %swap3A_119 = arith.constant 0 : index
    %swap3A_120 = vector.load %arg13[%swap3A_118, %swap3A_119] : memref<128x16xf32, #tpu.memory_space<vmem>>, vector<128x16xf32>
    tpu.vector_store %arg13[%swap3A_118, %swap3A_119], %div3A_117 {strides = array<i32>} : memref<128x16xf32, #tpu.memory_space<vmem>>, vector<128x16xf32>,
    %reduce_min3A = arith.constant dense<0x7F800000> : vector<128xf32>
    %reduce_min3A_121 = vector.multi_reduction <minimumf>, %reduce_sum3A_103, %reduce_min3A [1] : vector<128x16xf32> to vector<128xf32>
    %broadcast_in_dim3A_122 = vector.shape_cast %reduce_min3A_121 : vector<128xf32> to vector<128x1xf32>
    %swap3A_123 = arith.constant 0 : index
    %swap3A_124 = arith.constant 0 : index
    %swap3A_125 = vector.load %arg15[%swap3A_123, %swap3A_124] : memref<128x1xf32, #tpu.memory_space<vmem>>, vector<128x1xf32>
    tpu.vector_store %arg15[%swap3A_123, %swap3A_124], %broadcast_in_dim3A_122 {strides = array<i32>} : memref<128x1xf32, #tpu.memory_space<vmem>>, vector<128x1xf32>,
    %iota3A = tpu.iota {dimensions = array<i32: 1>} : vector<128x16xi32>
    %eq3A_126 = vector.broadcast %broadcast_in_dim3A_122 : vector<128x1xf32> to vector<128x16xf32>
    %eq3A_127 = arith.cmpf oeq, %reduce_sum3A_103, %eq3A_126 : vector<128x16xf32>
    %jit3A = arith.constant 2147483647 : i32
    %broadcast_in_dim3A_128 = vector.broadcast %jit3A : i32 to vector<128x16xi32>
    %select_n3A = arith.select %eq3A_127, %iota3A, %broadcast_in_dim3A_128 : vector<128x16xi1>, vector<128x16xi32>
    %reduce_min3A_129 = arith.constant dense<2147483647> : vector<128xi32>
    %reduce_min3A_130 = vector.multi_reduction <minsi>, %select_n3A, %reduce_min3A_129 [1] : vector<128x16xi32> to vector<128xi32>
    %broadcast_in_dim3A_131 = vector.shape_cast %reduce_min3A_130 : vector<128xi32> to vector<128x1xi32>
    %swap3A_132 = arith.constant 0 : index
    %swap3A_133 = arith.constant 0 : index
    %swap3A_134 = vector.load %arg14[%swap3A_132, %swap3A_133] : memref<128x1xi32, #tpu.memory_space<vmem>>, vector<128x1xi32>
    tpu.vector_store %arg14[%swap3A_132, %swap3A_133], %broadcast_in_dim3A_131 {strides = array<i32>} : memref<128x1xi32, #tpu.memory_space<vmem>>, vector<128x1xi32>,
    return
  }
  func.func @transform_0(%arg0: i32) -> (i32, i32, i32) {
    %c0_i32 = arith.constant 0 : i32
    %c0_i32_0 = arith.constant 0 : i32
    %c0_i32_1 = arith.constant 0 : i32
    return %arg0, %c0_i32, %c0_i32_0 : i32, i32, i32
  }
  func.func @transform_1(%arg0: i32) -> (i32, i32) {
    %c0_i32 = arith.constant 0 : i32
    %c0_i32_0 = arith.constant 0 : i32
    %c0_i32_1 = arith.constant 0 : i32
    return %c0_i32, %c0_i32_0 : i32, i32
  }
  func.func @transform_2(%arg0: i32) -> (i32, i32) {
    %c0_i32 = arith.constant 0 : i32
    %c0_i32_0 = arith.constant 0 : i32
    %c0_i32_1 = arith.constant 0 : i32
    return %c0_i32, %c0_i32_0 : i32, i32
  }
  func.func @transform_3(%arg0: i32) -> (i32, i32) {
    %c0_i32 = arith.constant 0 : i32
    %c0_i32_0 = arith.constant 0 : i32
    %c0_i32_1 = arith.constant 0 : i32
    return %c0_i32, %c0_i32_0 : i32, i32
  }
  func.func @transform_4(%arg0: i32) -> (i32, i32) {
    %c0_i32 = arith.constant 0 : i32
    %c0_i32_0 = arith.constant 0 : i32
    %c0_i32_1 = arith.constant 0 : i32
    return %c0_i32, %c0_i32_0 : i32, i32
  }
  func.func @transform_5(%arg0: i32) -> (i32, i32) {
    %c0_i32 = arith.constant 0 : i32
    %c0_i32_0 = arith.constant 0 : i32
    %c0_i32_1 = arith.constant 0 : i32
    return %c0_i32, %c0_i32_0 : i32, i32
  }
  func.func @transform_6(%arg0: i32) -> (i32, i32) {
    %c0_i32 = arith.constant 0 : i32
    %c0_i32_0 = arith.constant 0 : i32
    %c0_i32_1 = arith.constant 0 : i32
    return %c0_i32, %c0_i32_0 : i32, i32
  }
  func.func @transform_7(%arg0: i32) -> (i32, i32) {
    %c0_i32 = arith.constant 0 : i32
    %c0_i32_0 = arith.constant 0 : i32
    %c0_i32_1 = arith.constant 0 : i32
    return %c0_i32, %c0_i32_0 : i32, i32
  }
  func.func @transform_8(%arg0: i32) -> (i32, i32) {
    %c0_i32 = arith.constant 0 : i32
    %c0_i32_0 = arith.constant 0 : i32
    return %arg0, %c0_i32 : i32, i32
  }
  func.func @transform_9(%arg0: i32) -> (i32, i32) {
    %c0_i32 = arith.constant 0 : i32
    %c0_i32_0 = arith.constant 0 : i32
    return %arg0, %c0_i32 : i32, i32
  }
  func.func @transform_10(%arg0: i32) -> (i32, i32) {
    %c0_i32 = arith.constant 0 : i32
    %c0_i32_0 = arith.constant 0 : i32
    return %arg0, %c0_i32 : i32, i32
  }
  func.func @transform_11(%arg0: i32) -> (i32, i32) {
    %c0_i32 = arith.constant 0 : i32
    %c0_i32_0 = arith.constant 0 : i32
    return %arg0, %c0_i32 : i32, i32
  }
  func.func @transform_12(%arg0: i32) -> (i32, i32) {
    %c0_i32 = arith.constant 0 : i32
    %c0_i32_0 = arith.constant 0 : i32
    return %arg0, %c0_i32 : i32, i32
  }
  func.func @transform_13(%arg0: i32) -> (i32, i32) {
    %c0_i32 = arith.constant 0 : i32
    %c0_i32_0 = arith.constant 0 : i32
    return %arg0, %c0_i32 : i32, i32
  }
  func.func @transform_14(%arg0: i32) -> (i32, i32) {
    %c0_i32 = arith.constant 0 : i32
    %c0_i32_0 = arith.constant 0 : i32
    return %arg0, %c0_i32 : i32, i32
  }
  func.func @transform_15(%arg0: i32) -> (i32, i32) {
    %c0_i32 = arith.constant 0 : i32
    %c0_i32_0 = arith.constant 0 : i32
    %c0_i32_1 = arith.constant 0 : i32
    return %c0_i32, %c0_i32_0 : i32, i32
  }
}

module attributes {stable_mosaic.version = 14 : i64} {
  func.func @_topg_kernel(%arg0: memref<1024x512xf32, #tpu.memory_space<vmem>>, %arg1: memref<1024x64xi32, #tpu.memory_space<vmem>>, %arg2: memref<1024x512xf32, #tpu.memory_space<vmem>>) attributes {dimension_semantics = [], scalar_prefetch = 0 : i64, scratch_operands = 1 : i64, tpu.core_type = #tpu.core_type<tc>} {
    %get3A = arith.constant 0 : index
    %get3A_0 = arith.constant 0 : index
    %get3A_1 = vector.load %arg0[%get3A, %get3A_0] : memref<1024x512xf32, #tpu.memory_space<vmem>>, vector<1024x512xf32>
    %swap3A = arith.constant 0 : index
    %swap3A_2 = arith.constant 0 : index
    %swap3A_3 = vector.load %arg2[%swap3A, %swap3A_2] : memref<1024x512xf32, #tpu.memory_space<vmem>>, vector<1024x512xf32>
    tpu.vector_store %arg2[%swap3A, %swap3A_2], %get3A_1 {strides = array<i32>} : memref<1024x512xf32, #tpu.memory_space<vmem>>, vector<1024x512xf32>,
    %iota3A = tpu.iota {dimensions = array<i32: 1>} : vector<1024x512xi32>
    %iota3A_4 = tpu.iota {dimensions = array<i32: 0>} : vector<1024x64xi32>
    %iota3A_5 = tpu.iota {dimensions = array<i32: 1>} : vector<1024x64xi32>
    %broadcast_in_dim3A = arith.constant 0 : i32
    %broadcast_in_dim3A_6 = vector.broadcast %broadcast_in_dim3A : i32 to vector<1024x64xi32>
    %swap3A_7 = arith.constant 0 : index
    %swap3A_8 = arith.constant 0 : index
    %swap3A_9 = vector.load %arg1[%swap3A_7, %swap3A_8] : memref<1024x64xi32, #tpu.memory_space<vmem>>, vector<1024x64xi32>
    tpu.vector_store %arg1[%swap3A_7, %swap3A_8], %broadcast_in_dim3A_6 {strides = array<i32>} : memref<1024x64xi32, #tpu.memory_space<vmem>>, vector<1024x64xi32>,
    %scan3A = arith.constant 0 : i32
    %scan3A_10 = arith.constant 40 : i32
    %scan3A_11 = arith.addi %scan3A, %scan3A_10 : i32
    %scan3A_12 = arith.constant 1 : i32
    scf.for %scan3A_14 = %scan3A to %scan3A_11 step %scan3A_12  : i32 {
      %get3A_15 = arith.constant 0 : index
      %get3A_16 = arith.constant 0 : index
      %get3A_17 = vector.load %arg2[%get3A_15, %get3A_16] : memref<1024x512xf32, #tpu.memory_space<vmem>>, vector<1024x512xf32>
      %reduce_max3A = arith.constant dense<0xFF800000> : vector<1024xf32>
      %reduce_max3A_18 = vector.multi_reduction <maximumf>, %get3A_17, %reduce_max3A [1] : vector<1024x512xf32> to vector<1024xf32>
      %broadcast_in_dim3A_19 = vector.shape_cast %reduce_max3A_18 : vector<1024xf32> to vector<1024x1xf32>
      %eq3A = vector.broadcast %broadcast_in_dim3A_19 : vector<1024x1xf32> to vector<1024x512xf32>
      %eq3A_20 = arith.cmpf oeq, %get3A_17, %eq3A : vector<1024x512xf32>
      %jit3A = arith.constant 2147483647 : i32
      %broadcast_in_dim3A_21 = vector.broadcast %jit3A : i32 to vector<1024x512xi32>
      %select_n3A = arith.select %eq3A_20, %iota3A, %broadcast_in_dim3A_21 : vector<1024x512xi1>, vector<1024x512xi32>
      %reduce_min3A = arith.constant dense<2147483647> : vector<1024xi32>
      %reduce_min3A_22 = vector.multi_reduction <minsi>, %select_n3A, %reduce_min3A [1] : vector<1024x512xi32> to vector<1024xi32>
      %broadcast_in_dim3A_23 = vector.shape_cast %reduce_min3A_22 : vector<1024xi32> to vector<1024x1xi32>
      %eq3A_24 = vector.broadcast %broadcast_in_dim3A_23 : vector<1024x1xi32> to vector<1024x512xi32>
      %eq3A_25 = arith.cmpi eq, %iota3A, %eq3A_24 : vector<1024x512xi32>
      %jit3A_26 = arith.constant -3.000000e+38 : f32
      %broadcast_in_dim3A_27 = vector.broadcast %jit3A_26 : f32 to vector<1024x512xf32>
      %select_n3A_28 = arith.select %eq3A_25, %broadcast_in_dim3A_27, %get3A_17 : vector<1024x512xi1>, vector<1024x512xf32>
      %swap3A_29 = arith.constant 0 : index
      %swap3A_30 = arith.constant 0 : index
      %swap3A_31 = vector.load %arg2[%swap3A_29, %swap3A_30] : memref<1024x512xf32, #tpu.memory_space<vmem>>, vector<1024x512xf32>
      tpu.vector_store %arg2[%swap3A_29, %swap3A_30], %select_n3A_28 {strides = array<i32>} : memref<1024x512xf32, #tpu.memory_space<vmem>>, vector<1024x512xf32>,
      %get3A_32 = arith.constant 0 : index
      %get3A_33 = arith.constant 0 : index
      %get3A_34 = vector.load %arg1[%get3A_32, %get3A_33] : memref<1024x64xi32, #tpu.memory_space<vmem>>, vector<1024x64xi32>
      %eq3A_35 = vector.broadcast %scan3A_14 : i32 to vector<1024x64xi32>
      %eq3A_36 = arith.cmpi eq, %iota3A_5, %eq3A_35 : vector<1024x64xi32>
      %mul3A = arith.constant 512 : i32
      %mul3A_37 = vector.broadcast %mul3A : i32 to vector<1024x64xi32>
      %mul3A_38 = arith.muli %iota3A_4, %mul3A_37 : vector<1024x64xi32>
      %add3A = vector.broadcast %broadcast_in_dim3A_23 : vector<1024x1xi32> to vector<1024x64xi32>
      %add3A_39 = arith.addi %add3A, %mul3A_38 : vector<1024x64xi32>
      %jit3A_40 = arith.constant 0 : i32
      %broadcast_in_dim3A_41 = vector.broadcast %jit3A_40 : i32 to vector<1024x64xi32>
      %select_n3A_42 = arith.select %eq3A_36, %add3A_39, %broadcast_in_dim3A_41 : vector<1024x64xi1>, vector<1024x64xi32>
      %add3A_43 = arith.addi %get3A_34, %select_n3A_42 : vector<1024x64xi32>
      %swap3A_44 = arith.constant 0 : index
      %swap3A_45 = arith.constant 0 : index
      %swap3A_46 = vector.load %arg1[%swap3A_44, %swap3A_45] : memref<1024x64xi32, #tpu.memory_space<vmem>>, vector<1024x64xi32>
      tpu.vector_store %arg1[%swap3A_44, %swap3A_45], %add3A_43 {strides = array<i32>} : memref<1024x64xi32, #tpu.memory_space<vmem>>, vector<1024x64xi32>,
    }
    %scan3A_13 = arith.constant 40 : i32
    return
  }
}

module attributes {stable_mosaic.version = 14 : i64} {
  func.func @_topk_kernel(%arg0: i32, %arg1: memref<256x40x128xf32, #tpu.memory_space<vmem>>, %arg2: memref<256x40xi32, #tpu.memory_space<vmem>>, %arg3: memref<256x32xi32, #tpu.memory_space<vmem>>, %arg4: memref<256x40x128xf32, #tpu.memory_space<vmem>>) attributes {dimension_semantics = [#tpu.dimension_semantics<arbitrary>], iteration_bounds = array<i64: 4>, scalar_prefetch = 0 : i64, scratch_operands = 1 : i64, tpu.core_type = #tpu.core_type<tc>, window_params = [{transform_indices = @transform_0, window_bounds = array<i64: 256, 40, 128>}, {transform_indices = @transform_1, window_bounds = array<i64: 256, 40>}, {transform_indices = @transform_2, window_bounds = array<i64: 256, 32>}]} {
    %iota3A = tpu.iota {dimensions = array<i32: 0>} : vector<256x40xi32>
    %mul3A = arith.constant 256 : i32
    %mul3A_0 = arith.muli %arg0, %mul3A : i32
    %add3A = vector.broadcast %mul3A_0 : i32 to vector<256x40xi32>
    %add3A_1 = arith.addi %iota3A, %add3A : vector<256x40xi32>
    %get3A = arith.constant 0 : index
    %get3A_2 = arith.constant 0 : index
    %get3A_3 = vector.load %arg2[%get3A, %get3A_2] : memref<256x40xi32, #tpu.memory_space<vmem>>, vector<256x40xi32>
    %mul3A_4 = arith.constant 512 : i32
    %mul3A_5 = vector.broadcast %mul3A_4 : i32 to vector<256x40xi32>
    %mul3A_6 = arith.muli %add3A_1, %mul3A_5 : vector<256x40xi32>
    %sub3A = arith.subi %get3A_3, %mul3A_6 : vector<256x40xi32>
    %broadcast_in_dim3A = vector.shape_cast %sub3A : vector<256x40xi32> to vector<256x40x1xi32>
    %mul3A_7 = arith.constant 128 : i32
    %mul3A_8 = vector.broadcast %mul3A_7 : i32 to vector<256x40x1xi32>
    %mul3A_9 = arith.muli %broadcast_in_dim3A, %mul3A_8 : vector<256x40x1xi32>
    %iota3A_10 = tpu.iota {dimensions = array<i32: 2>} : vector<256x40x128xi32>
    %add3A_11 = vector.broadcast %mul3A_9 : vector<256x40x1xi32> to vector<256x40x128xi32>
    %add3A_12 = arith.addi %add3A_11, %iota3A_10 : vector<256x40x128xi32>
    %iota3A_13 = tpu.iota {dimensions = array<i32: 1>} : vector<256x32xi32>
    %get3A_14 = arith.constant 0 : index
    %get3A_15 = arith.constant 0 : index
    %get3A_16 = arith.constant 0 : index
    %get3A_17 = vector.load %arg1[%get3A_14, %get3A_15, %get3A_16] : memref<256x40x128xf32, #tpu.memory_space<vmem>>, vector<256x40x128xf32>
    %swap3A = arith.constant 0 : index
    %swap3A_18 = arith.constant 0 : index
    %swap3A_19 = arith.constant 0 : index
    %swap3A_20 = vector.load %arg4[%swap3A, %swap3A_18, %swap3A_19] : memref<256x40x128xf32, #tpu.memory_space<vmem>>, vector<256x40x128xf32>
    tpu.vector_store %arg4[%swap3A, %swap3A_18, %swap3A_19], %get3A_17 {strides = array<i32>} : memref<256x40x128xf32, #tpu.memory_space<vmem>>, vector<256x40x128xf32>,
    %get3A_21 = arith.constant 0 : index
    %get3A_22 = arith.constant 0 : index
    %get3A_23 = arith.constant 0 : index
    %get3A_24 = vector.load %arg4[%get3A_21, %get3A_22, %get3A_23] : memref<256x40x128xf32, #tpu.memory_space<vmem>>, vector<256x40x128xf32>
    %reduce_max3A = arith.constant dense<0xFF800000> : vector<256x40xf32>
    %reduce_max3A_25 = vector.multi_reduction <maximumf>, %get3A_24, %reduce_max3A [2] : vector<256x40x128xf32> to vector<256x40xf32>
    %broadcast_in_dim3A_26 = vector.shape_cast %reduce_max3A_25 : vector<256x40xf32> to vector<256x40x1xf32>
    %eq3A = vector.broadcast %broadcast_in_dim3A_26 : vector<256x40x1xf32> to vector<256x40x128xf32>
    %eq3A_27 = arith.cmpf oeq, %get3A_24, %eq3A : vector<256x40x128xf32>
    %jit3A = arith.constant 2147483647 : i32
    %broadcast_in_dim3A_28 = vector.broadcast %jit3A : i32 to vector<256x40x128xi32>
    %select_n3A = arith.select %eq3A_27, %add3A_12, %broadcast_in_dim3A_28 : vector<256x40x128xi1>, vector<256x40x128xi32>
    %reduce_min3A = arith.constant dense<2147483647> : vector<256x40xi32>
    %reduce_min3A_29 = vector.multi_reduction <minsi>, %select_n3A, %reduce_min3A [2] : vector<256x40x128xi32> to vector<256x40xi32>
    %broadcast_in_dim3A_30 = vector.shape_cast %reduce_min3A_29 : vector<256x40xi32> to vector<256x40x1xi32>
    %eq3A_31 = vector.broadcast %broadcast_in_dim3A_30 : vector<256x40x1xi32> to vector<256x40x128xi32>
    %eq3A_32 = arith.cmpi eq, %add3A_12, %eq3A_31 : vector<256x40x128xi32>
    %jit3A_33 = arith.constant -3.000000e+38 : f32
    %broadcast_in_dim3A_34 = vector.broadcast %jit3A_33 : f32 to vector<256x40x128xf32>
    %select_n3A_35 = arith.select %eq3A_32, %broadcast_in_dim3A_34, %get3A_24 : vector<256x40x128xi1>, vector<256x40x128xf32>
    %swap3A_36 = arith.constant 0 : index
    %swap3A_37 = arith.constant 0 : index
    %swap3A_38 = arith.constant 0 : index
    %swap3A_39 = vector.load %arg4[%swap3A_36, %swap3A_37, %swap3A_38] : memref<256x40x128xf32, #tpu.memory_space<vmem>>, vector<256x40x128xf32>
    tpu.vector_store %arg4[%swap3A_36, %swap3A_37, %swap3A_38], %select_n3A_35 {strides = array<i32>} : memref<256x40x128xf32, #tpu.memory_space<vmem>>, vector<256x40x128xf32>,
    %get3A_40 = arith.constant 0 : index
    %get3A_41 = arith.constant 0 : index
    %get3A_42 = arith.constant 0 : index
    %get3A_43 = vector.load %arg4[%get3A_40, %get3A_41, %get3A_42] : memref<256x40x128xf32, #tpu.memory_space<vmem>>, vector<256x40x128xf32>
    %reduce_max3A_44 = arith.constant dense<0xFF800000> : vector<256x40xf32>
    %reduce_max3A_45 = vector.multi_reduction <maximumf>, %get3A_43, %reduce_max3A_44 [2] : vector<256x40x128xf32> to vector<256x40xf32>
    %broadcast_in_dim3A_46 = vector.shape_cast %reduce_max3A_45 : vector<256x40xf32> to vector<256x40x1xf32>
    %eq3A_47 = vector.broadcast %broadcast_in_dim3A_46 : vector<256x40x1xf32> to vector<256x40x128xf32>
    %eq3A_48 = arith.cmpf oeq, %get3A_43, %eq3A_47 : vector<256x40x128xf32>
    %jit3A_49 = arith.constant 2147483647 : i32
    %broadcast_in_dim3A_50 = vector.broadcast %jit3A_49 : i32 to vector<256x40x128xi32>
    %select_n3A_51 = arith.select %eq3A_48, %add3A_12, %broadcast_in_dim3A_50 : vector<256x40x128xi1>, vector<256x40x128xi32>
    %reduce_min3A_52 = arith.constant dense<2147483647> : vector<256x40xi32>
    %reduce_min3A_53 = vector.multi_reduction <minsi>, %select_n3A_51, %reduce_min3A_52 [2] : vector<256x40x128xi32> to vector<256x40xi32>
    %broadcast_in_dim3A_54 = vector.shape_cast %reduce_min3A_53 : vector<256x40xi32> to vector<256x40x1xi32>
    %eq3A_55 = vector.broadcast %broadcast_in_dim3A_54 : vector<256x40x1xi32> to vector<256x40x128xi32>
    %eq3A_56 = arith.cmpi eq, %add3A_12, %eq3A_55 : vector<256x40x128xi32>
    %jit3A_57 = arith.constant -3.000000e+38 : f32
    %broadcast_in_dim3A_58 = vector.broadcast %jit3A_57 : f32 to vector<256x40x128xf32>
    %select_n3A_59 = arith.select %eq3A_56, %broadcast_in_dim3A_58, %get3A_43 : vector<256x40x128xi1>, vector<256x40x128xf32>
    %swap3A_60 = arith.constant 0 : index
    %swap3A_61 = arith.constant 0 : index
    %swap3A_62 = arith.constant 0 : index
    %swap3A_63 = vector.load %arg4[%swap3A_60, %swap3A_61, %swap3A_62] : memref<256x40x128xf32, #tpu.memory_space<vmem>>, vector<256x40x128xf32>
    tpu.vector_store %arg4[%swap3A_60, %swap3A_61, %swap3A_62], %select_n3A_59 {strides = array<i32>} : memref<256x40x128xf32, #tpu.memory_space<vmem>>, vector<256x40x128xf32>,
    %get3A_64 = arith.constant 0 : index
    %get3A_65 = arith.constant 0 : index
    %get3A_66 = arith.constant 0 : index
    %get3A_67 = vector.load %arg4[%get3A_64, %get3A_65, %get3A_66] : memref<256x40x128xf32, #tpu.memory_space<vmem>>, vector<256x40x128xf32>
    %reduce_max3A_68 = arith.constant dense<0xFF800000> : vector<256x40xf32>
    %reduce_max3A_69 = vector.multi_reduction <maximumf>, %get3A_67, %reduce_max3A_68 [2] : vector<256x40x128xf32> to vector<256x40xf32>
    %broadcast_in_dim3A_70 = vector.shape_cast %reduce_max3A_69 : vector<256x40xf32> to vector<256x40x1xf32>
    %eq3A_71 = vector.broadcast %broadcast_in_dim3A_70 : vector<256x40x1xf32> to vector<256x40x128xf32>
    %eq3A_72 = arith.cmpf oeq, %get3A_67, %eq3A_71 : vector<256x40x128xf32>
    %jit3A_73 = arith.constant 2147483647 : i32
    %broadcast_in_dim3A_74 = vector.broadcast %jit3A_73 : i32 to vector<256x40x128xi32>
    %select_n3A_75 = arith.select %eq3A_72, %add3A_12, %broadcast_in_dim3A_74 : vector<256x40x128xi1>, vector<256x40x128xi32>
    %reduce_min3A_76 = arith.constant dense<2147483647> : vector<256x40xi32>
    %reduce_min3A_77 = vector.multi_reduction <minsi>, %select_n3A_75, %reduce_min3A_76 [2] : vector<256x40x128xi32> to vector<256x40xi32>
    %broadcast_in_dim3A_78 = vector.shape_cast %reduce_min3A_77 : vector<256x40xi32> to vector<256x40x1xi32>
    %eq3A_79 = vector.broadcast %broadcast_in_dim3A_78 : vector<256x40x1xi32> to vector<256x40x128xi32>
    %eq3A_80 = arith.cmpi eq, %add3A_12, %eq3A_79 : vector<256x40x128xi32>
    %jit3A_81 = arith.constant -3.000000e+38 : f32
    %broadcast_in_dim3A_82 = vector.broadcast %jit3A_81 : f32 to vector<256x40x128xf32>
    %select_n3A_83 = arith.select %eq3A_80, %broadcast_in_dim3A_82, %get3A_67 : vector<256x40x128xi1>, vector<256x40x128xf32>
    %swap3A_84 = arith.constant 0 : index
    %swap3A_85 = arith.constant 0 : index
    %swap3A_86 = arith.constant 0 : index
    %swap3A_87 = vector.load %arg4[%swap3A_84, %swap3A_85, %swap3A_86] : memref<256x40x128xf32, #tpu.memory_space<vmem>>, vector<256x40x128xf32>
    tpu.vector_store %arg4[%swap3A_84, %swap3A_85, %swap3A_86], %select_n3A_83 {strides = array<i32>} : memref<256x40x128xf32, #tpu.memory_space<vmem>>, vector<256x40x128xf32>,
    %get3A_88 = arith.constant 0 : index
    %get3A_89 = arith.constant 0 : index
    %get3A_90 = arith.constant 0 : index
    %get3A_91 = vector.load %arg4[%get3A_88, %get3A_89, %get3A_90] : memref<256x40x128xf32, #tpu.memory_space<vmem>>, vector<256x40x128xf32>
    %reduce_max3A_92 = arith.constant dense<0xFF800000> : vector<256x40xf32>
    %reduce_max3A_93 = vector.multi_reduction <maximumf>, %get3A_91, %reduce_max3A_92 [2] : vector<256x40x128xf32> to vector<256x40xf32>
    %broadcast_in_dim3A_94 = vector.shape_cast %reduce_max3A_93 : vector<256x40xf32> to vector<256x40x1xf32>
    %eq3A_95 = vector.broadcast %broadcast_in_dim3A_94 : vector<256x40x1xf32> to vector<256x40x128xf32>
    %eq3A_96 = arith.cmpf oeq, %get3A_91, %eq3A_95 : vector<256x40x128xf32>
    %jit3A_97 = arith.constant 2147483647 : i32
    %broadcast_in_dim3A_98 = vector.broadcast %jit3A_97 : i32 to vector<256x40x128xi32>
    %select_n3A_99 = arith.select %eq3A_96, %add3A_12, %broadcast_in_dim3A_98 : vector<256x40x128xi1>, vector<256x40x128xi32>
    %reduce_min3A_100 = arith.constant dense<2147483647> : vector<256x40xi32>
    %reduce_min3A_101 = vector.multi_reduction <minsi>, %select_n3A_99, %reduce_min3A_100 [2] : vector<256x40x128xi32> to vector<256x40xi32>
    %broadcast_in_dim3A_102 = vector.shape_cast %reduce_min3A_101 : vector<256x40xi32> to vector<256x40x1xi32>
    %eq3A_103 = vector.broadcast %broadcast_in_dim3A_102 : vector<256x40x1xi32> to vector<256x40x128xi32>
    %eq3A_104 = arith.cmpi eq, %add3A_12, %eq3A_103 : vector<256x40x128xi32>
    %jit3A_105 = arith.constant -3.000000e+38 : f32
    %broadcast_in_dim3A_106 = vector.broadcast %jit3A_105 : f32 to vector<256x40x128xf32>
    %select_n3A_107 = arith.select %eq3A_104, %broadcast_in_dim3A_106, %get3A_91 : vector<256x40x128xi1>, vector<256x40x128xf32>
    %swap3A_108 = arith.constant 0 : index
    %swap3A_109 = arith.constant 0 : index
    %swap3A_110 = arith.constant 0 : index
    %swap3A_111 = vector.load %arg4[%swap3A_108, %swap3A_109, %swap3A_110] : memref<256x40x128xf32, #tpu.memory_space<vmem>>, vector<256x40x128xf32>
    tpu.vector_store %arg4[%swap3A_108, %swap3A_109, %swap3A_110], %select_n3A_107 {strides = array<i32>} : memref<256x40x128xf32, #tpu.memory_space<vmem>>, vector<256x40x128xf32>,
    %get3A_112 = arith.constant 0 : index
    %get3A_113 = arith.constant 0 : index
    %get3A_114 = arith.constant 0 : index
    %get3A_115 = vector.load %arg4[%get3A_112, %get3A_113, %get3A_114] : memref<256x40x128xf32, #tpu.memory_space<vmem>>, vector<256x40x128xf32>
    %reduce_max3A_116 = arith.constant dense<0xFF800000> : vector<256x40xf32>
    %reduce_max3A_117 = vector.multi_reduction <maximumf>, %get3A_115, %reduce_max3A_116 [2] : vector<256x40x128xf32> to vector<256x40xf32>
    %broadcast_in_dim3A_118 = vector.shape_cast %reduce_max3A_117 : vector<256x40xf32> to vector<256x40x1xf32>
    %eq3A_119 = vector.broadcast %broadcast_in_dim3A_118 : vector<256x40x1xf32> to vector<256x40x128xf32>
    %eq3A_120 = arith.cmpf oeq, %get3A_115, %eq3A_119 : vector<256x40x128xf32>
    %jit3A_121 = arith.constant 2147483647 : i32
    %broadcast_in_dim3A_122 = vector.broadcast %jit3A_121 : i32 to vector<256x40x128xi32>
    %select_n3A_123 = arith.select %eq3A_120, %add3A_12, %broadcast_in_dim3A_122 : vector<256x40x128xi1>, vector<256x40x128xi32>
    %reduce_min3A_124 = arith.constant dense<2147483647> : vector<256x40xi32>
    %reduce_min3A_125 = vector.multi_reduction <minsi>, %select_n3A_123, %reduce_min3A_124 [2] : vector<256x40x128xi32> to vector<256x40xi32>
    %broadcast_in_dim3A_126 = vector.shape_cast %reduce_min3A_125 : vector<256x40xi32> to vector<256x40x1xi32>
    %eq3A_127 = vector.broadcast %broadcast_in_dim3A_126 : vector<256x40x1xi32> to vector<256x40x128xi32>
    %eq3A_128 = arith.cmpi eq, %add3A_12, %eq3A_127 : vector<256x40x128xi32>
    %jit3A_129 = arith.constant -3.000000e+38 : f32
    %broadcast_in_dim3A_130 = vector.broadcast %jit3A_129 : f32 to vector<256x40x128xf32>
    %select_n3A_131 = arith.select %eq3A_128, %broadcast_in_dim3A_130, %get3A_115 : vector<256x40x128xi1>, vector<256x40x128xf32>
    %swap3A_132 = arith.constant 0 : index
    %swap3A_133 = arith.constant 0 : index
    %swap3A_134 = arith.constant 0 : index
    %swap3A_135 = vector.load %arg4[%swap3A_132, %swap3A_133, %swap3A_134] : memref<256x40x128xf32, #tpu.memory_space<vmem>>, vector<256x40x128xf32>
    tpu.vector_store %arg4[%swap3A_132, %swap3A_133, %swap3A_134], %select_n3A_131 {strides = array<i32>} : memref<256x40x128xf32, #tpu.memory_space<vmem>>, vector<256x40x128xf32>,
    %concatenate3A = tpu.concatenate %reduce_max3A_25, %reduce_max3A_45, %reduce_max3A_69, %reduce_max3A_93, %reduce_max3A_117 in 1 : vector<256x40xf32>, vector<256x40xf32>, vector<256x40xf32>, vector<256x40xf32>, vector<256x40xf32> -> vector<256x200xf32>
    %concatenate3A_136 = tpu.concatenate %reduce_min3A_29, %reduce_min3A_53, %reduce_min3A_77, %reduce_min3A_101, %reduce_min3A_125 in 1 : vector<256x40xi32>, vector<256x40xi32>, vector<256x40xi32>, vector<256x40xi32>, vector<256x40xi32> -> vector<256x200xi32>
    %broadcast_in_dim3A_137 = arith.constant 0 : i32
    %broadcast_in_dim3A_138 = vector.broadcast %broadcast_in_dim3A_137 : i32 to vector<256x32xi32>
    %reduce_max3A_139 = arith.constant dense<0xFF800000> : vector<256xf32>
    %reduce_max3A_140 = vector.multi_reduction <maximumf>, %concatenate3A, %reduce_max3A_139 [1] : vector<256x200xf32> to vector<256xf32>
    %broadcast_in_dim3A_141 = vector.shape_cast %reduce_max3A_140 : vector<256xf32> to vector<256x1xf32>
    %eq3A_142 = vector.broadcast %broadcast_in_dim3A_141 : vector<256x1xf32> to vector<256x200xf32>
    %eq3A_143 = arith.cmpf oeq, %concatenate3A, %eq3A_142 : vector<256x200xf32>
    %jit3A_144 = arith.constant 2147483647 : i32
    %broadcast_in_dim3A_145 = vector.broadcast %jit3A_144 : i32 to vector<256x200xi32>
    %select_n3A_146 = arith.select %eq3A_143, %concatenate3A_136, %broadcast_in_dim3A_145 : vector<256x200xi1>, vector<256x200xi32>
    %reduce_min3A_147 = arith.constant dense<2147483647> : vector<256xi32>
    %reduce_min3A_148 = vector.multi_reduction <minsi>, %select_n3A_146, %reduce_min3A_147 [1] : vector<256x200xi32> to vector<256xi32>
    %broadcast_in_dim3A_149 = vector.shape_cast %reduce_min3A_148 : vector<256xi32> to vector<256x1xi32>
    %eq3A_150 = vector.broadcast %broadcast_in_dim3A_149 : vector<256x1xi32> to vector<256x200xi32>
    %eq3A_151 = arith.cmpi eq, %concatenate3A_136, %eq3A_150 : vector<256x200xi32>
    %jit3A_152 = arith.constant -3.000000e+38 : f32
    %broadcast_in_dim3A_153 = vector.broadcast %jit3A_152 : f32 to vector<256x200xf32>
    %select_n3A_154 = arith.select %eq3A_151, %broadcast_in_dim3A_153, %concatenate3A : vector<256x200xi1>, vector<256x200xf32>
    %eq3A_155 = arith.constant 0 : i32
    %eq3A_156 = vector.broadcast %eq3A_155 : i32 to vector<256x32xi32>
    %eq3A_157 = arith.cmpi eq, %iota3A_13, %eq3A_156 : vector<256x32xi32>
    %jit3A_158 = arith.constant 0 : i32
    %broadcast_in_dim3A_159 = vector.shape_cast %broadcast_in_dim3A_149 : vector<256x1xi32> to vector<256x1xi32>
    %broadcast_in_dim3A_160 = vector.broadcast %broadcast_in_dim3A_159 : vector<256x1xi32> to vector<256x32xi32>
    %broadcast_in_dim3A_161 = vector.broadcast %jit3A_158 : i32 to vector<256x32xi32>
    %select_n3A_162 = arith.select %eq3A_157, %broadcast_in_dim3A_160, %broadcast_in_dim3A_161 : vector<256x32xi1>, vector<256x32xi32>
    %add3A_163 = arith.addi %broadcast_in_dim3A_138, %select_n3A_162 : vector<256x32xi32>
    %reduce_max3A_164 = arith.constant dense<0xFF800000> : vector<256xf32>
    %reduce_max3A_165 = vector.multi_reduction <maximumf>, %select_n3A_154, %reduce_max3A_164 [1] : vector<256x200xf32> to vector<256xf32>
    %broadcast_in_dim3A_166 = vector.shape_cast %reduce_max3A_165 : vector<256xf32> to vector<256x1xf32>
    %eq3A_167 = vector.broadcast %broadcast_in_dim3A_166 : vector<256x1xf32> to vector<256x200xf32>
    %eq3A_168 = arith.cmpf oeq, %select_n3A_154, %eq3A_167 : vector<256x200xf32>
    %jit3A_169 = arith.constant 2147483647 : i32
    %broadcast_in_dim3A_170 = vector.broadcast %jit3A_169 : i32 to vector<256x200xi32>
    %select_n3A_171 = arith.select %eq3A_168, %concatenate3A_136, %broadcast_in_dim3A_170 : vector<256x200xi1>, vector<256x200xi32>
    %reduce_min3A_172 = arith.constant dense<2147483647> : vector<256xi32>
    %reduce_min3A_173 = vector.multi_reduction <minsi>, %select_n3A_171, %reduce_min3A_172 [1] : vector<256x200xi32> to vector<256xi32>
    %broadcast_in_dim3A_174 = vector.shape_cast %reduce_min3A_173 : vector<256xi32> to vector<256x1xi32>
    %eq3A_175 = vector.broadcast %broadcast_in_dim3A_174 : vector<256x1xi32> to vector<256x200xi32>
    %eq3A_176 = arith.cmpi eq, %concatenate3A_136, %eq3A_175 : vector<256x200xi32>
    %jit3A_177 = arith.constant -3.000000e+38 : f32
    %broadcast_in_dim3A_178 = vector.broadcast %jit3A_177 : f32 to vector<256x200xf32>
    %select_n3A_179 = arith.select %eq3A_176, %broadcast_in_dim3A_178, %select_n3A_154 : vector<256x200xi1>, vector<256x200xf32>
    %eq3A_180 = arith.constant 1 : i32
    %eq3A_181 = vector.broadcast %eq3A_180 : i32 to vector<256x32xi32>
    %eq3A_182 = arith.cmpi eq, %iota3A_13, %eq3A_181 : vector<256x32xi32>
    %jit3A_183 = arith.constant 0 : i32
    %broadcast_in_dim3A_184 = vector.shape_cast %broadcast_in_dim3A_174 : vector<256x1xi32> to vector<256x1xi32>
    %broadcast_in_dim3A_185 = vector.broadcast %broadcast_in_dim3A_184 : vector<256x1xi32> to vector<256x32xi32>
    %broadcast_in_dim3A_186 = vector.broadcast %jit3A_183 : i32 to vector<256x32xi32>
    %select_n3A_187 = arith.select %eq3A_182, %broadcast_in_dim3A_185, %broadcast_in_dim3A_186 : vector<256x32xi1>, vector<256x32xi32>
    %add3A_188 = arith.addi %add3A_163, %select_n3A_187 : vector<256x32xi32>
    %reduce_max3A_189 = arith.constant dense<0xFF800000> : vector<256xf32>
    %reduce_max3A_190 = vector.multi_reduction <maximumf>, %select_n3A_179, %reduce_max3A_189 [1] : vector<256x200xf32> to vector<256xf32>
    %broadcast_in_dim3A_191 = vector.shape_cast %reduce_max3A_190 : vector<256xf32> to vector<256x1xf32>
    %eq3A_192 = vector.broadcast %broadcast_in_dim3A_191 : vector<256x1xf32> to vector<256x200xf32>
    %eq3A_193 = arith.cmpf oeq, %select_n3A_179, %eq3A_192 : vector<256x200xf32>
    %jit3A_194 = arith.constant 2147483647 : i32
    %broadcast_in_dim3A_195 = vector.broadcast %jit3A_194 : i32 to vector<256x200xi32>
    %select_n3A_196 = arith.select %eq3A_193, %concatenate3A_136, %broadcast_in_dim3A_195 : vector<256x200xi1>, vector<256x200xi32>
    %reduce_min3A_197 = arith.constant dense<2147483647> : vector<256xi32>
    %reduce_min3A_198 = vector.multi_reduction <minsi>, %select_n3A_196, %reduce_min3A_197 [1] : vector<256x200xi32> to vector<256xi32>
    %broadcast_in_dim3A_199 = vector.shape_cast %reduce_min3A_198 : vector<256xi32> to vector<256x1xi32>
    %eq3A_200 = vector.broadcast %broadcast_in_dim3A_199 : vector<256x1xi32> to vector<256x200xi32>
    %eq3A_201 = arith.cmpi eq, %concatenate3A_136, %eq3A_200 : vector<256x200xi32>
    %jit3A_202 = arith.constant -3.000000e+38 : f32
    %broadcast_in_dim3A_203 = vector.broadcast %jit3A_202 : f32 to vector<256x200xf32>
    %select_n3A_204 = arith.select %eq3A_201, %broadcast_in_dim3A_203, %select_n3A_179 : vector<256x200xi1>, vector<256x200xf32>
    %eq3A_205 = arith.constant 2 : i32
    %eq3A_206 = vector.broadcast %eq3A_205 : i32 to vector<256x32xi32>
    %eq3A_207 = arith.cmpi eq, %iota3A_13, %eq3A_206 : vector<256x32xi32>
    %jit3A_208 = arith.constant 0 : i32
    %broadcast_in_dim3A_209 = vector.shape_cast %broadcast_in_dim3A_199 : vector<256x1xi32> to vector<256x1xi32>
    %broadcast_in_dim3A_210 = vector.broadcast %broadcast_in_dim3A_209 : vector<256x1xi32> to vector<256x32xi32>
    %broadcast_in_dim3A_211 = vector.broadcast %jit3A_208 : i32 to vector<256x32xi32>
    %select_n3A_212 = arith.select %eq3A_207, %broadcast_in_dim3A_210, %broadcast_in_dim3A_211 : vector<256x32xi1>, vector<256x32xi32>
    %add3A_213 = arith.addi %add3A_188, %select_n3A_212 : vector<256x32xi32>
    %reduce_max3A_214 = arith.constant dense<0xFF800000> : vector<256xf32>
    %reduce_max3A_215 = vector.multi_reduction <maximumf>, %select_n3A_204, %reduce_max3A_214 [1] : vector<256x200xf32> to vector<256xf32>
    %broadcast_in_dim3A_216 = vector.shape_cast %reduce_max3A_215 : vector<256xf32> to vector<256x1xf32>
    %eq3A_217 = vector.broadcast %broadcast_in_dim3A_216 : vector<256x1xf32> to vector<256x200xf32>
    %eq3A_218 = arith.cmpf oeq, %select_n3A_204, %eq3A_217 : vector<256x200xf32>
    %jit3A_219 = arith.constant 2147483647 : i32
    %broadcast_in_dim3A_220 = vector.broadcast %jit3A_219 : i32 to vector<256x200xi32>
    %select_n3A_221 = arith.select %eq3A_218, %concatenate3A_136, %broadcast_in_dim3A_220 : vector<256x200xi1>, vector<256x200xi32>
    %reduce_min3A_222 = arith.constant dense<2147483647> : vector<256xi32>
    %reduce_min3A_223 = vector.multi_reduction <minsi>, %select_n3A_221, %reduce_min3A_222 [1] : vector<256x200xi32> to vector<256xi32>
    %broadcast_in_dim3A_224 = vector.shape_cast %reduce_min3A_223 : vector<256xi32> to vector<256x1xi32>
    %eq3A_225 = vector.broadcast %broadcast_in_dim3A_224 : vector<256x1xi32> to vector<256x200xi32>
    %eq3A_226 = arith.cmpi eq, %concatenate3A_136, %eq3A_225 : vector<256x200xi32>
    %jit3A_227 = arith.constant -3.000000e+38 : f32
    %broadcast_in_dim3A_228 = vector.broadcast %jit3A_227 : f32 to vector<256x200xf32>
    %select_n3A_229 = arith.select %eq3A_226, %broadcast_in_dim3A_228, %select_n3A_204 : vector<256x200xi1>, vector<256x200xf32>
    %eq3A_230 = arith.constant 3 : i32
    %eq3A_231 = vector.broadcast %eq3A_230 : i32 to vector<256x32xi32>
    %eq3A_232 = arith.cmpi eq, %iota3A_13, %eq3A_231 : vector<256x32xi32>
    %jit3A_233 = arith.constant 0 : i32
    %broadcast_in_dim3A_234 = vector.shape_cast %broadcast_in_dim3A_224 : vector<256x1xi32> to vector<256x1xi32>
    %broadcast_in_dim3A_235 = vector.broadcast %broadcast_in_dim3A_234 : vector<256x1xi32> to vector<256x32xi32>
    %broadcast_in_dim3A_236 = vector.broadcast %jit3A_233 : i32 to vector<256x32xi32>
    %select_n3A_237 = arith.select %eq3A_232, %broadcast_in_dim3A_235, %broadcast_in_dim3A_236 : vector<256x32xi1>, vector<256x32xi32>
    %add3A_238 = arith.addi %add3A_213, %select_n3A_237 : vector<256x32xi32>
    %reduce_max3A_239 = arith.constant dense<0xFF800000> : vector<256xf32>
    %reduce_max3A_240 = vector.multi_reduction <maximumf>, %select_n3A_229, %reduce_max3A_239 [1] : vector<256x200xf32> to vector<256xf32>
    %broadcast_in_dim3A_241 = vector.shape_cast %reduce_max3A_240 : vector<256xf32> to vector<256x1xf32>
    %eq3A_242 = vector.broadcast %broadcast_in_dim3A_241 : vector<256x1xf32> to vector<256x200xf32>
    %eq3A_243 = arith.cmpf oeq, %select_n3A_229, %eq3A_242 : vector<256x200xf32>
    %jit3A_244 = arith.constant 2147483647 : i32
    %broadcast_in_dim3A_245 = vector.broadcast %jit3A_244 : i32 to vector<256x200xi32>
    %select_n3A_246 = arith.select %eq3A_243, %concatenate3A_136, %broadcast_in_dim3A_245 : vector<256x200xi1>, vector<256x200xi32>
    %reduce_min3A_247 = arith.constant dense<2147483647> : vector<256xi32>
    %reduce_min3A_248 = vector.multi_reduction <minsi>, %select_n3A_246, %reduce_min3A_247 [1] : vector<256x200xi32> to vector<256xi32>
    %broadcast_in_dim3A_249 = vector.shape_cast %reduce_min3A_248 : vector<256xi32> to vector<256x1xi32>
    %eq3A_250 = vector.broadcast %broadcast_in_dim3A_249 : vector<256x1xi32> to vector<256x200xi32>
    %eq3A_251 = arith.cmpi eq, %concatenate3A_136, %eq3A_250 : vector<256x200xi32>
    %jit3A_252 = arith.constant -3.000000e+38 : f32
    %broadcast_in_dim3A_253 = vector.broadcast %jit3A_252 : f32 to vector<256x200xf32>
    %select_n3A_254 = arith.select %eq3A_251, %broadcast_in_dim3A_253, %select_n3A_229 : vector<256x200xi1>, vector<256x200xf32>
    %eq3A_255 = arith.constant 4 : i32
    %eq3A_256 = vector.broadcast %eq3A_255 : i32 to vector<256x32xi32>
    %eq3A_257 = arith.cmpi eq, %iota3A_13, %eq3A_256 : vector<256x32xi32>
    %jit3A_258 = arith.constant 0 : i32
    %broadcast_in_dim3A_259 = vector.shape_cast %broadcast_in_dim3A_249 : vector<256x1xi32> to vector<256x1xi32>
    %broadcast_in_dim3A_260 = vector.broadcast %broadcast_in_dim3A_259 : vector<256x1xi32> to vector<256x32xi32>
    %broadcast_in_dim3A_261 = vector.broadcast %jit3A_258 : i32 to vector<256x32xi32>
    %select_n3A_262 = arith.select %eq3A_257, %broadcast_in_dim3A_260, %broadcast_in_dim3A_261 : vector<256x32xi1>, vector<256x32xi32>
    %add3A_263 = arith.addi %add3A_238, %select_n3A_262 : vector<256x32xi32>
    %reduce_max3A_264 = arith.constant dense<0xFF800000> : vector<256xf32>
    %reduce_max3A_265 = vector.multi_reduction <maximumf>, %select_n3A_254, %reduce_max3A_264 [1] : vector<256x200xf32> to vector<256xf32>
    %broadcast_in_dim3A_266 = vector.shape_cast %reduce_max3A_265 : vector<256xf32> to vector<256x1xf32>
    %eq3A_267 = vector.broadcast %broadcast_in_dim3A_266 : vector<256x1xf32> to vector<256x200xf32>
    %eq3A_268 = arith.cmpf oeq, %select_n3A_254, %eq3A_267 : vector<256x200xf32>
    %jit3A_269 = arith.constant 2147483647 : i32
    %broadcast_in_dim3A_270 = vector.broadcast %jit3A_269 : i32 to vector<256x200xi32>
    %select_n3A_271 = arith.select %eq3A_268, %concatenate3A_136, %broadcast_in_dim3A_270 : vector<256x200xi1>, vector<256x200xi32>
    %reduce_min3A_272 = arith.constant dense<2147483647> : vector<256xi32>
    %reduce_min3A_273 = vector.multi_reduction <minsi>, %select_n3A_271, %reduce_min3A_272 [1] : vector<256x200xi32> to vector<256xi32>
    %broadcast_in_dim3A_274 = vector.shape_cast %reduce_min3A_273 : vector<256xi32> to vector<256x1xi32>
    %eq3A_275 = vector.broadcast %broadcast_in_dim3A_274 : vector<256x1xi32> to vector<256x200xi32>
    %eq3A_276 = arith.cmpi eq, %concatenate3A_136, %eq3A_275 : vector<256x200xi32>
    %jit3A_277 = arith.constant -3.000000e+38 : f32
    %broadcast_in_dim3A_278 = vector.broadcast %jit3A_277 : f32 to vector<256x200xf32>
    %select_n3A_279 = arith.select %eq3A_276, %broadcast_in_dim3A_278, %select_n3A_254 : vector<256x200xi1>, vector<256x200xf32>
    %eq3A_280 = arith.constant 5 : i32
    %eq3A_281 = vector.broadcast %eq3A_280 : i32 to vector<256x32xi32>
    %eq3A_282 = arith.cmpi eq, %iota3A_13, %eq3A_281 : vector<256x32xi32>
    %jit3A_283 = arith.constant 0 : i32
    %broadcast_in_dim3A_284 = vector.shape_cast %broadcast_in_dim3A_274 : vector<256x1xi32> to vector<256x1xi32>
    %broadcast_in_dim3A_285 = vector.broadcast %broadcast_in_dim3A_284 : vector<256x1xi32> to vector<256x32xi32>
    %broadcast_in_dim3A_286 = vector.broadcast %jit3A_283 : i32 to vector<256x32xi32>
    %select_n3A_287 = arith.select %eq3A_282, %broadcast_in_dim3A_285, %broadcast_in_dim3A_286 : vector<256x32xi1>, vector<256x32xi32>
    %add3A_288 = arith.addi %add3A_263, %select_n3A_287 : vector<256x32xi32>
    %reduce_max3A_289 = arith.constant dense<0xFF800000> : vector<256xf32>
    %reduce_max3A_290 = vector.multi_reduction <maximumf>, %select_n3A_279, %reduce_max3A_289 [1] : vector<256x200xf32> to vector<256xf32>
    %broadcast_in_dim3A_291 = vector.shape_cast %reduce_max3A_290 : vector<256xf32> to vector<256x1xf32>
    %eq3A_292 = vector.broadcast %broadcast_in_dim3A_291 : vector<256x1xf32> to vector<256x200xf32>
    %eq3A_293 = arith.cmpf oeq, %select_n3A_279, %eq3A_292 : vector<256x200xf32>
    %jit3A_294 = arith.constant 2147483647 : i32
    %broadcast_in_dim3A_295 = vector.broadcast %jit3A_294 : i32 to vector<256x200xi32>
    %select_n3A_296 = arith.select %eq3A_293, %concatenate3A_136, %broadcast_in_dim3A_295 : vector<256x200xi1>, vector<256x200xi32>
    %reduce_min3A_297 = arith.constant dense<2147483647> : vector<256xi32>
    %reduce_min3A_298 = vector.multi_reduction <minsi>, %select_n3A_296, %reduce_min3A_297 [1] : vector<256x200xi32> to vector<256xi32>
    %broadcast_in_dim3A_299 = vector.shape_cast %reduce_min3A_298 : vector<256xi32> to vector<256x1xi32>
    %eq3A_300 = vector.broadcast %broadcast_in_dim3A_299 : vector<256x1xi32> to vector<256x200xi32>
    %eq3A_301 = arith.cmpi eq, %concatenate3A_136, %eq3A_300 : vector<256x200xi32>
    %jit3A_302 = arith.constant -3.000000e+38 : f32
    %broadcast_in_dim3A_303 = vector.broadcast %jit3A_302 : f32 to vector<256x200xf32>
    %select_n3A_304 = arith.select %eq3A_301, %broadcast_in_dim3A_303, %select_n3A_279 : vector<256x200xi1>, vector<256x200xf32>
    %eq3A_305 = arith.constant 6 : i32
    %eq3A_306 = vector.broadcast %eq3A_305 : i32 to vector<256x32xi32>
    %eq3A_307 = arith.cmpi eq, %iota3A_13, %eq3A_306 : vector<256x32xi32>
    %jit3A_308 = arith.constant 0 : i32
    %broadcast_in_dim3A_309 = vector.shape_cast %broadcast_in_dim3A_299 : vector<256x1xi32> to vector<256x1xi32>
    %broadcast_in_dim3A_310 = vector.broadcast %broadcast_in_dim3A_309 : vector<256x1xi32> to vector<256x32xi32>
    %broadcast_in_dim3A_311 = vector.broadcast %jit3A_308 : i32 to vector<256x32xi32>
    %select_n3A_312 = arith.select %eq3A_307, %broadcast_in_dim3A_310, %broadcast_in_dim3A_311 : vector<256x32xi1>, vector<256x32xi32>
    %add3A_313 = arith.addi %add3A_288, %select_n3A_312 : vector<256x32xi32>
    %reduce_max3A_314 = arith.constant dense<0xFF800000> : vector<256xf32>
    %reduce_max3A_315 = vector.multi_reduction <maximumf>, %select_n3A_304, %reduce_max3A_314 [1] : vector<256x200xf32> to vector<256xf32>
    %broadcast_in_dim3A_316 = vector.shape_cast %reduce_max3A_315 : vector<256xf32> to vector<256x1xf32>
    %eq3A_317 = vector.broadcast %broadcast_in_dim3A_316 : vector<256x1xf32> to vector<256x200xf32>
    %eq3A_318 = arith.cmpf oeq, %select_n3A_304, %eq3A_317 : vector<256x200xf32>
    %jit3A_319 = arith.constant 2147483647 : i32
    %broadcast_in_dim3A_320 = vector.broadcast %jit3A_319 : i32 to vector<256x200xi32>
    %select_n3A_321 = arith.select %eq3A_318, %concatenate3A_136, %broadcast_in_dim3A_320 : vector<256x200xi1>, vector<256x200xi32>
    %reduce_min3A_322 = arith.constant dense<2147483647> : vector<256xi32>
    %reduce_min3A_323 = vector.multi_reduction <minsi>, %select_n3A_321, %reduce_min3A_322 [1] : vector<256x200xi32> to vector<256xi32>
    %broadcast_in_dim3A_324 = vector.shape_cast %reduce_min3A_323 : vector<256xi32> to vector<256x1xi32>
    %eq3A_325 = vector.broadcast %broadcast_in_dim3A_324 : vector<256x1xi32> to vector<256x200xi32>
    %eq3A_326 = arith.cmpi eq, %concatenate3A_136, %eq3A_325 : vector<256x200xi32>
    %jit3A_327 = arith.constant -3.000000e+38 : f32
    %broadcast_in_dim3A_328 = vector.broadcast %jit3A_327 : f32 to vector<256x200xf32>
    %select_n3A_329 = arith.select %eq3A_326, %broadcast_in_dim3A_328, %select_n3A_304 : vector<256x200xi1>, vector<256x200xf32>
    %eq3A_330 = arith.constant 7 : i32
    %eq3A_331 = vector.broadcast %eq3A_330 : i32 to vector<256x32xi32>
    %eq3A_332 = arith.cmpi eq, %iota3A_13, %eq3A_331 : vector<256x32xi32>
    %jit3A_333 = arith.constant 0 : i32
    %broadcast_in_dim3A_334 = vector.shape_cast %broadcast_in_dim3A_324 : vector<256x1xi32> to vector<256x1xi32>
    %broadcast_in_dim3A_335 = vector.broadcast %broadcast_in_dim3A_334 : vector<256x1xi32> to vector<256x32xi32>
    %broadcast_in_dim3A_336 = vector.broadcast %jit3A_333 : i32 to vector<256x32xi32>
    %select_n3A_337 = arith.select %eq3A_332, %broadcast_in_dim3A_335, %broadcast_in_dim3A_336 : vector<256x32xi1>, vector<256x32xi32>
    %add3A_338 = arith.addi %add3A_313, %select_n3A_337 : vector<256x32xi32>
    %reduce_max3A_339 = arith.constant dense<0xFF800000> : vector<256xf32>
    %reduce_max3A_340 = vector.multi_reduction <maximumf>, %select_n3A_329, %reduce_max3A_339 [1] : vector<256x200xf32> to vector<256xf32>
    %broadcast_in_dim3A_341 = vector.shape_cast %reduce_max3A_340 : vector<256xf32> to vector<256x1xf32>
    %eq3A_342 = vector.broadcast %broadcast_in_dim3A_341 : vector<256x1xf32> to vector<256x200xf32>
    %eq3A_343 = arith.cmpf oeq, %select_n3A_329, %eq3A_342 : vector<256x200xf32>
    %jit3A_344 = arith.constant 2147483647 : i32
    %broadcast_in_dim3A_345 = vector.broadcast %jit3A_344 : i32 to vector<256x200xi32>
    %select_n3A_346 = arith.select %eq3A_343, %concatenate3A_136, %broadcast_in_dim3A_345 : vector<256x200xi1>, vector<256x200xi32>
    %reduce_min3A_347 = arith.constant dense<2147483647> : vector<256xi32>
    %reduce_min3A_348 = vector.multi_reduction <minsi>, %select_n3A_346, %reduce_min3A_347 [1] : vector<256x200xi32> to vector<256xi32>
    %broadcast_in_dim3A_349 = vector.shape_cast %reduce_min3A_348 : vector<256xi32> to vector<256x1xi32>
    %eq3A_350 = vector.broadcast %broadcast_in_dim3A_349 : vector<256x1xi32> to vector<256x200xi32>
    %eq3A_351 = arith.cmpi eq, %concatenate3A_136, %eq3A_350 : vector<256x200xi32>
    %jit3A_352 = arith.constant -3.000000e+38 : f32
    %broadcast_in_dim3A_353 = vector.broadcast %jit3A_352 : f32 to vector<256x200xf32>
    %select_n3A_354 = arith.select %eq3A_351, %broadcast_in_dim3A_353, %select_n3A_329 : vector<256x200xi1>, vector<256x200xf32>
    %eq3A_355 = arith.constant 8 : i32
    %eq3A_356 = vector.broadcast %eq3A_355 : i32 to vector<256x32xi32>
    %eq3A_357 = arith.cmpi eq, %iota3A_13, %eq3A_356 : vector<256x32xi32>
    %jit3A_358 = arith.constant 0 : i32
    %broadcast_in_dim3A_359 = vector.shape_cast %broadcast_in_dim3A_349 : vector<256x1xi32> to vector<256x1xi32>
    %broadcast_in_dim3A_360 = vector.broadcast %broadcast_in_dim3A_359 : vector<256x1xi32> to vector<256x32xi32>
    %broadcast_in_dim3A_361 = vector.broadcast %jit3A_358 : i32 to vector<256x32xi32>
    %select_n3A_362 = arith.select %eq3A_357, %broadcast_in_dim3A_360, %broadcast_in_dim3A_361 : vector<256x32xi1>, vector<256x32xi32>
    %add3A_363 = arith.addi %add3A_338, %select_n3A_362 : vector<256x32xi32>
    %reduce_max3A_364 = arith.constant dense<0xFF800000> : vector<256xf32>
    %reduce_max3A_365 = vector.multi_reduction <maximumf>, %select_n3A_354, %reduce_max3A_364 [1] : vector<256x200xf32> to vector<256xf32>
    %broadcast_in_dim3A_366 = vector.shape_cast %reduce_max3A_365 : vector<256xf32> to vector<256x1xf32>
    %eq3A_367 = vector.broadcast %broadcast_in_dim3A_366 : vector<256x1xf32> to vector<256x200xf32>
    %eq3A_368 = arith.cmpf oeq, %select_n3A_354, %eq3A_367 : vector<256x200xf32>
    %jit3A_369 = arith.constant 2147483647 : i32
    %broadcast_in_dim3A_370 = vector.broadcast %jit3A_369 : i32 to vector<256x200xi32>
    %select_n3A_371 = arith.select %eq3A_368, %concatenate3A_136, %broadcast_in_dim3A_370 : vector<256x200xi1>, vector<256x200xi32>
    %reduce_min3A_372 = arith.constant dense<2147483647> : vector<256xi32>
    %reduce_min3A_373 = vector.multi_reduction <minsi>, %select_n3A_371, %reduce_min3A_372 [1] : vector<256x200xi32> to vector<256xi32>
    %broadcast_in_dim3A_374 = vector.shape_cast %reduce_min3A_373 : vector<256xi32> to vector<256x1xi32>
    %eq3A_375 = vector.broadcast %broadcast_in_dim3A_374 : vector<256x1xi32> to vector<256x200xi32>
    %eq3A_376 = arith.cmpi eq, %concatenate3A_136, %eq3A_375 : vector<256x200xi32>
    %jit3A_377 = arith.constant -3.000000e+38 : f32
    %broadcast_in_dim3A_378 = vector.broadcast %jit3A_377 : f32 to vector<256x200xf32>
    %select_n3A_379 = arith.select %eq3A_376, %broadcast_in_dim3A_378, %select_n3A_354 : vector<256x200xi1>, vector<256x200xf32>
    %eq3A_380 = arith.constant 9 : i32
    %eq3A_381 = vector.broadcast %eq3A_380 : i32 to vector<256x32xi32>
    %eq3A_382 = arith.cmpi eq, %iota3A_13, %eq3A_381 : vector<256x32xi32>
    %jit3A_383 = arith.constant 0 : i32
    %broadcast_in_dim3A_384 = vector.shape_cast %broadcast_in_dim3A_374 : vector<256x1xi32> to vector<256x1xi32>
    %broadcast_in_dim3A_385 = vector.broadcast %broadcast_in_dim3A_384 : vector<256x1xi32> to vector<256x32xi32>
    %broadcast_in_dim3A_386 = vector.broadcast %jit3A_383 : i32 to vector<256x32xi32>
    %select_n3A_387 = arith.select %eq3A_382, %broadcast_in_dim3A_385, %broadcast_in_dim3A_386 : vector<256x32xi1>, vector<256x32xi32>
    %add3A_388 = arith.addi %add3A_363, %select_n3A_387 : vector<256x32xi32>
    %reduce_max3A_389 = arith.constant dense<0xFF800000> : vector<256xf32>
    %reduce_max3A_390 = vector.multi_reduction <maximumf>, %select_n3A_379, %reduce_max3A_389 [1] : vector<256x200xf32> to vector<256xf32>
    %broadcast_in_dim3A_391 = vector.shape_cast %reduce_max3A_390 : vector<256xf32> to vector<256x1xf32>
    %eq3A_392 = vector.broadcast %broadcast_in_dim3A_391 : vector<256x1xf32> to vector<256x200xf32>
    %eq3A_393 = arith.cmpf oeq, %select_n3A_379, %eq3A_392 : vector<256x200xf32>
    %jit3A_394 = arith.constant 2147483647 : i32
    %broadcast_in_dim3A_395 = vector.broadcast %jit3A_394 : i32 to vector<256x200xi32>
    %select_n3A_396 = arith.select %eq3A_393, %concatenate3A_136, %broadcast_in_dim3A_395 : vector<256x200xi1>, vector<256x200xi32>
    %reduce_min3A_397 = arith.constant dense<2147483647> : vector<256xi32>
    %reduce_min3A_398 = vector.multi_reduction <minsi>, %select_n3A_396, %reduce_min3A_397 [1] : vector<256x200xi32> to vector<256xi32>
    %broadcast_in_dim3A_399 = vector.shape_cast %reduce_min3A_398 : vector<256xi32> to vector<256x1xi32>
    %eq3A_400 = vector.broadcast %broadcast_in_dim3A_399 : vector<256x1xi32> to vector<256x200xi32>
    %eq3A_401 = arith.cmpi eq, %concatenate3A_136, %eq3A_400 : vector<256x200xi32>
    %jit3A_402 = arith.constant -3.000000e+38 : f32
    %broadcast_in_dim3A_403 = vector.broadcast %jit3A_402 : f32 to vector<256x200xf32>
    %select_n3A_404 = arith.select %eq3A_401, %broadcast_in_dim3A_403, %select_n3A_379 : vector<256x200xi1>, vector<256x200xf32>
    %eq3A_405 = arith.constant 10 : i32
    %eq3A_406 = vector.broadcast %eq3A_405 : i32 to vector<256x32xi32>
    %eq3A_407 = arith.cmpi eq, %iota3A_13, %eq3A_406 : vector<256x32xi32>
    %jit3A_408 = arith.constant 0 : i32
    %broadcast_in_dim3A_409 = vector.shape_cast %broadcast_in_dim3A_399 : vector<256x1xi32> to vector<256x1xi32>
    %broadcast_in_dim3A_410 = vector.broadcast %broadcast_in_dim3A_409 : vector<256x1xi32> to vector<256x32xi32>
    %broadcast_in_dim3A_411 = vector.broadcast %jit3A_408 : i32 to vector<256x32xi32>
    %select_n3A_412 = arith.select %eq3A_407, %broadcast_in_dim3A_410, %broadcast_in_dim3A_411 : vector<256x32xi1>, vector<256x32xi32>
    %add3A_413 = arith.addi %add3A_388, %select_n3A_412 : vector<256x32xi32>
    %reduce_max3A_414 = arith.constant dense<0xFF800000> : vector<256xf32>
    %reduce_max3A_415 = vector.multi_reduction <maximumf>, %select_n3A_404, %reduce_max3A_414 [1] : vector<256x200xf32> to vector<256xf32>
    %broadcast_in_dim3A_416 = vector.shape_cast %reduce_max3A_415 : vector<256xf32> to vector<256x1xf32>
    %eq3A_417 = vector.broadcast %broadcast_in_dim3A_416 : vector<256x1xf32> to vector<256x200xf32>
    %eq3A_418 = arith.cmpf oeq, %select_n3A_404, %eq3A_417 : vector<256x200xf32>
    %jit3A_419 = arith.constant 2147483647 : i32
    %broadcast_in_dim3A_420 = vector.broadcast %jit3A_419 : i32 to vector<256x200xi32>
    %select_n3A_421 = arith.select %eq3A_418, %concatenate3A_136, %broadcast_in_dim3A_420 : vector<256x200xi1>, vector<256x200xi32>
    %reduce_min3A_422 = arith.constant dense<2147483647> : vector<256xi32>
    %reduce_min3A_423 = vector.multi_reduction <minsi>, %select_n3A_421, %reduce_min3A_422 [1] : vector<256x200xi32> to vector<256xi32>
    %broadcast_in_dim3A_424 = vector.shape_cast %reduce_min3A_423 : vector<256xi32> to vector<256x1xi32>
    %eq3A_425 = vector.broadcast %broadcast_in_dim3A_424 : vector<256x1xi32> to vector<256x200xi32>
    %eq3A_426 = arith.cmpi eq, %concatenate3A_136, %eq3A_425 : vector<256x200xi32>
    %jit3A_427 = arith.constant -3.000000e+38 : f32
    %broadcast_in_dim3A_428 = vector.broadcast %jit3A_427 : f32 to vector<256x200xf32>
    %select_n3A_429 = arith.select %eq3A_426, %broadcast_in_dim3A_428, %select_n3A_404 : vector<256x200xi1>, vector<256x200xf32>
    %eq3A_430 = arith.constant 11 : i32
    %eq3A_431 = vector.broadcast %eq3A_430 : i32 to vector<256x32xi32>
    %eq3A_432 = arith.cmpi eq, %iota3A_13, %eq3A_431 : vector<256x32xi32>
    %jit3A_433 = arith.constant 0 : i32
    %broadcast_in_dim3A_434 = vector.shape_cast %broadcast_in_dim3A_424 : vector<256x1xi32> to vector<256x1xi32>
    %broadcast_in_dim3A_435 = vector.broadcast %broadcast_in_dim3A_434 : vector<256x1xi32> to vector<256x32xi32>
    %broadcast_in_dim3A_436 = vector.broadcast %jit3A_433 : i32 to vector<256x32xi32>
    %select_n3A_437 = arith.select %eq3A_432, %broadcast_in_dim3A_435, %broadcast_in_dim3A_436 : vector<256x32xi1>, vector<256x32xi32>
    %add3A_438 = arith.addi %add3A_413, %select_n3A_437 : vector<256x32xi32>
    %reduce_max3A_439 = arith.constant dense<0xFF800000> : vector<256xf32>
    %reduce_max3A_440 = vector.multi_reduction <maximumf>, %select_n3A_429, %reduce_max3A_439 [1] : vector<256x200xf32> to vector<256xf32>
    %broadcast_in_dim3A_441 = vector.shape_cast %reduce_max3A_440 : vector<256xf32> to vector<256x1xf32>
    %eq3A_442 = vector.broadcast %broadcast_in_dim3A_441 : vector<256x1xf32> to vector<256x200xf32>
    %eq3A_443 = arith.cmpf oeq, %select_n3A_429, %eq3A_442 : vector<256x200xf32>
    %jit3A_444 = arith.constant 2147483647 : i32
    %broadcast_in_dim3A_445 = vector.broadcast %jit3A_444 : i32 to vector<256x200xi32>
    %select_n3A_446 = arith.select %eq3A_443, %concatenate3A_136, %broadcast_in_dim3A_445 : vector<256x200xi1>, vector<256x200xi32>
    %reduce_min3A_447 = arith.constant dense<2147483647> : vector<256xi32>
    %reduce_min3A_448 = vector.multi_reduction <minsi>, %select_n3A_446, %reduce_min3A_447 [1] : vector<256x200xi32> to vector<256xi32>
    %broadcast_in_dim3A_449 = vector.shape_cast %reduce_min3A_448 : vector<256xi32> to vector<256x1xi32>
    %eq3A_450 = vector.broadcast %broadcast_in_dim3A_449 : vector<256x1xi32> to vector<256x200xi32>
    %eq3A_451 = arith.cmpi eq, %concatenate3A_136, %eq3A_450 : vector<256x200xi32>
    %jit3A_452 = arith.constant -3.000000e+38 : f32
    %broadcast_in_dim3A_453 = vector.broadcast %jit3A_452 : f32 to vector<256x200xf32>
    %select_n3A_454 = arith.select %eq3A_451, %broadcast_in_dim3A_453, %select_n3A_429 : vector<256x200xi1>, vector<256x200xf32>
    %eq3A_455 = arith.constant 12 : i32
    %eq3A_456 = vector.broadcast %eq3A_455 : i32 to vector<256x32xi32>
    %eq3A_457 = arith.cmpi eq, %iota3A_13, %eq3A_456 : vector<256x32xi32>
    %jit3A_458 = arith.constant 0 : i32
    %broadcast_in_dim3A_459 = vector.shape_cast %broadcast_in_dim3A_449 : vector<256x1xi32> to vector<256x1xi32>
    %broadcast_in_dim3A_460 = vector.broadcast %broadcast_in_dim3A_459 : vector<256x1xi32> to vector<256x32xi32>
    %broadcast_in_dim3A_461 = vector.broadcast %jit3A_458 : i32 to vector<256x32xi32>
    %select_n3A_462 = arith.select %eq3A_457, %broadcast_in_dim3A_460, %broadcast_in_dim3A_461 : vector<256x32xi1>, vector<256x32xi32>
    %add3A_463 = arith.addi %add3A_438, %select_n3A_462 : vector<256x32xi32>
    %reduce_max3A_464 = arith.constant dense<0xFF800000> : vector<256xf32>
    %reduce_max3A_465 = vector.multi_reduction <maximumf>, %select_n3A_454, %reduce_max3A_464 [1] : vector<256x200xf32> to vector<256xf32>
    %broadcast_in_dim3A_466 = vector.shape_cast %reduce_max3A_465 : vector<256xf32> to vector<256x1xf32>
    %eq3A_467 = vector.broadcast %broadcast_in_dim3A_466 : vector<256x1xf32> to vector<256x200xf32>
    %eq3A_468 = arith.cmpf oeq, %select_n3A_454, %eq3A_467 : vector<256x200xf32>
    %jit3A_469 = arith.constant 2147483647 : i32
    %broadcast_in_dim3A_470 = vector.broadcast %jit3A_469 : i32 to vector<256x200xi32>
    %select_n3A_471 = arith.select %eq3A_468, %concatenate3A_136, %broadcast_in_dim3A_470 : vector<256x200xi1>, vector<256x200xi32>
    %reduce_min3A_472 = arith.constant dense<2147483647> : vector<256xi32>
    %reduce_min3A_473 = vector.multi_reduction <minsi>, %select_n3A_471, %reduce_min3A_472 [1] : vector<256x200xi32> to vector<256xi32>
    %broadcast_in_dim3A_474 = vector.shape_cast %reduce_min3A_473 : vector<256xi32> to vector<256x1xi32>
    %eq3A_475 = vector.broadcast %broadcast_in_dim3A_474 : vector<256x1xi32> to vector<256x200xi32>
    %eq3A_476 = arith.cmpi eq, %concatenate3A_136, %eq3A_475 : vector<256x200xi32>
    %jit3A_477 = arith.constant -3.000000e+38 : f32
    %broadcast_in_dim3A_478 = vector.broadcast %jit3A_477 : f32 to vector<256x200xf32>
    %select_n3A_479 = arith.select %eq3A_476, %broadcast_in_dim3A_478, %select_n3A_454 : vector<256x200xi1>, vector<256x200xf32>
    %eq3A_480 = arith.constant 13 : i32
    %eq3A_481 = vector.broadcast %eq3A_480 : i32 to vector<256x32xi32>
    %eq3A_482 = arith.cmpi eq, %iota3A_13, %eq3A_481 : vector<256x32xi32>
    %jit3A_483 = arith.constant 0 : i32
    %broadcast_in_dim3A_484 = vector.shape_cast %broadcast_in_dim3A_474 : vector<256x1xi32> to vector<256x1xi32>
    %broadcast_in_dim3A_485 = vector.broadcast %broadcast_in_dim3A_484 : vector<256x1xi32> to vector<256x32xi32>
    %broadcast_in_dim3A_486 = vector.broadcast %jit3A_483 : i32 to vector<256x32xi32>
    %select_n3A_487 = arith.select %eq3A_482, %broadcast_in_dim3A_485, %broadcast_in_dim3A_486 : vector<256x32xi1>, vector<256x32xi32>
    %add3A_488 = arith.addi %add3A_463, %select_n3A_487 : vector<256x32xi32>
    %reduce_max3A_489 = arith.constant dense<0xFF800000> : vector<256xf32>
    %reduce_max3A_490 = vector.multi_reduction <maximumf>, %select_n3A_479, %reduce_max3A_489 [1] : vector<256x200xf32> to vector<256xf32>
    %broadcast_in_dim3A_491 = vector.shape_cast %reduce_max3A_490 : vector<256xf32> to vector<256x1xf32>
    %eq3A_492 = vector.broadcast %broadcast_in_dim3A_491 : vector<256x1xf32> to vector<256x200xf32>
    %eq3A_493 = arith.cmpf oeq, %select_n3A_479, %eq3A_492 : vector<256x200xf32>
    %jit3A_494 = arith.constant 2147483647 : i32
    %broadcast_in_dim3A_495 = vector.broadcast %jit3A_494 : i32 to vector<256x200xi32>
    %select_n3A_496 = arith.select %eq3A_493, %concatenate3A_136, %broadcast_in_dim3A_495 : vector<256x200xi1>, vector<256x200xi32>
    %reduce_min3A_497 = arith.constant dense<2147483647> : vector<256xi32>
    %reduce_min3A_498 = vector.multi_reduction <minsi>, %select_n3A_496, %reduce_min3A_497 [1] : vector<256x200xi32> to vector<256xi32>
    %broadcast_in_dim3A_499 = vector.shape_cast %reduce_min3A_498 : vector<256xi32> to vector<256x1xi32>
    %eq3A_500 = vector.broadcast %broadcast_in_dim3A_499 : vector<256x1xi32> to vector<256x200xi32>
    %eq3A_501 = arith.cmpi eq, %concatenate3A_136, %eq3A_500 : vector<256x200xi32>
    %jit3A_502 = arith.constant -3.000000e+38 : f32
    %broadcast_in_dim3A_503 = vector.broadcast %jit3A_502 : f32 to vector<256x200xf32>
    %select_n3A_504 = arith.select %eq3A_501, %broadcast_in_dim3A_503, %select_n3A_479 : vector<256x200xi1>, vector<256x200xf32>
    %eq3A_505 = arith.constant 14 : i32
    %eq3A_506 = vector.broadcast %eq3A_505 : i32 to vector<256x32xi32>
    %eq3A_507 = arith.cmpi eq, %iota3A_13, %eq3A_506 : vector<256x32xi32>
    %jit3A_508 = arith.constant 0 : i32
    %broadcast_in_dim3A_509 = vector.shape_cast %broadcast_in_dim3A_499 : vector<256x1xi32> to vector<256x1xi32>
    %broadcast_in_dim3A_510 = vector.broadcast %broadcast_in_dim3A_509 : vector<256x1xi32> to vector<256x32xi32>
    %broadcast_in_dim3A_511 = vector.broadcast %jit3A_508 : i32 to vector<256x32xi32>
    %select_n3A_512 = arith.select %eq3A_507, %broadcast_in_dim3A_510, %broadcast_in_dim3A_511 : vector<256x32xi1>, vector<256x32xi32>
    %add3A_513 = arith.addi %add3A_488, %select_n3A_512 : vector<256x32xi32>
    %reduce_max3A_514 = arith.constant dense<0xFF800000> : vector<256xf32>
    %reduce_max3A_515 = vector.multi_reduction <maximumf>, %select_n3A_504, %reduce_max3A_514 [1] : vector<256x200xf32> to vector<256xf32>
    %broadcast_in_dim3A_516 = vector.shape_cast %reduce_max3A_515 : vector<256xf32> to vector<256x1xf32>
    %eq3A_517 = vector.broadcast %broadcast_in_dim3A_516 : vector<256x1xf32> to vector<256x200xf32>
    %eq3A_518 = arith.cmpf oeq, %select_n3A_504, %eq3A_517 : vector<256x200xf32>
    %jit3A_519 = arith.constant 2147483647 : i32
    %broadcast_in_dim3A_520 = vector.broadcast %jit3A_519 : i32 to vector<256x200xi32>
    %select_n3A_521 = arith.select %eq3A_518, %concatenate3A_136, %broadcast_in_dim3A_520 : vector<256x200xi1>, vector<256x200xi32>
    %reduce_min3A_522 = arith.constant dense<2147483647> : vector<256xi32>
    %reduce_min3A_523 = vector.multi_reduction <minsi>, %select_n3A_521, %reduce_min3A_522 [1] : vector<256x200xi32> to vector<256xi32>
    %broadcast_in_dim3A_524 = vector.shape_cast %reduce_min3A_523 : vector<256xi32> to vector<256x1xi32>
    %eq3A_525 = vector.broadcast %broadcast_in_dim3A_524 : vector<256x1xi32> to vector<256x200xi32>
    %eq3A_526 = arith.cmpi eq, %concatenate3A_136, %eq3A_525 : vector<256x200xi32>
    %jit3A_527 = arith.constant -3.000000e+38 : f32
    %broadcast_in_dim3A_528 = vector.broadcast %jit3A_527 : f32 to vector<256x200xf32>
    %select_n3A_529 = arith.select %eq3A_526, %broadcast_in_dim3A_528, %select_n3A_504 : vector<256x200xi1>, vector<256x200xf32>
    %eq3A_530 = arith.constant 15 : i32
    %eq3A_531 = vector.broadcast %eq3A_530 : i32 to vector<256x32xi32>
    %eq3A_532 = arith.cmpi eq, %iota3A_13, %eq3A_531 : vector<256x32xi32>
    %jit3A_533 = arith.constant 0 : i32
    %broadcast_in_dim3A_534 = vector.shape_cast %broadcast_in_dim3A_524 : vector<256x1xi32> to vector<256x1xi32>
    %broadcast_in_dim3A_535 = vector.broadcast %broadcast_in_dim3A_534 : vector<256x1xi32> to vector<256x32xi32>
    %broadcast_in_dim3A_536 = vector.broadcast %jit3A_533 : i32 to vector<256x32xi32>
    %select_n3A_537 = arith.select %eq3A_532, %broadcast_in_dim3A_535, %broadcast_in_dim3A_536 : vector<256x32xi1>, vector<256x32xi32>
    %add3A_538 = arith.addi %add3A_513, %select_n3A_537 : vector<256x32xi32>
    %reduce_max3A_539 = arith.constant dense<0xFF800000> : vector<256xf32>
    %reduce_max3A_540 = vector.multi_reduction <maximumf>, %select_n3A_529, %reduce_max3A_539 [1] : vector<256x200xf32> to vector<256xf32>
    %broadcast_in_dim3A_541 = vector.shape_cast %reduce_max3A_540 : vector<256xf32> to vector<256x1xf32>
    %eq3A_542 = vector.broadcast %broadcast_in_dim3A_541 : vector<256x1xf32> to vector<256x200xf32>
    %eq3A_543 = arith.cmpf oeq, %select_n3A_529, %eq3A_542 : vector<256x200xf32>
    %jit3A_544 = arith.constant 2147483647 : i32
    %broadcast_in_dim3A_545 = vector.broadcast %jit3A_544 : i32 to vector<256x200xi32>
    %select_n3A_546 = arith.select %eq3A_543, %concatenate3A_136, %broadcast_in_dim3A_545 : vector<256x200xi1>, vector<256x200xi32>
    %reduce_min3A_547 = arith.constant dense<2147483647> : vector<256xi32>
    %reduce_min3A_548 = vector.multi_reduction <minsi>, %select_n3A_546, %reduce_min3A_547 [1] : vector<256x200xi32> to vector<256xi32>
    %broadcast_in_dim3A_549 = vector.shape_cast %reduce_min3A_548 : vector<256xi32> to vector<256x1xi32>
    %eq3A_550 = vector.broadcast %broadcast_in_dim3A_549 : vector<256x1xi32> to vector<256x200xi32>
    %eq3A_551 = arith.cmpi eq, %concatenate3A_136, %eq3A_550 : vector<256x200xi32>
    %jit3A_552 = arith.constant -3.000000e+38 : f32
    %broadcast_in_dim3A_553 = vector.broadcast %jit3A_552 : f32 to vector<256x200xf32>
    %select_n3A_554 = arith.select %eq3A_551, %broadcast_in_dim3A_553, %select_n3A_529 : vector<256x200xi1>, vector<256x200xf32>
    %eq3A_555 = arith.constant 16 : i32
    %eq3A_556 = vector.broadcast %eq3A_555 : i32 to vector<256x32xi32>
    %eq3A_557 = arith.cmpi eq, %iota3A_13, %eq3A_556 : vector<256x32xi32>
    %jit3A_558 = arith.constant 0 : i32
    %broadcast_in_dim3A_559 = vector.shape_cast %broadcast_in_dim3A_549 : vector<256x1xi32> to vector<256x1xi32>
    %broadcast_in_dim3A_560 = vector.broadcast %broadcast_in_dim3A_559 : vector<256x1xi32> to vector<256x32xi32>
    %broadcast_in_dim3A_561 = vector.broadcast %jit3A_558 : i32 to vector<256x32xi32>
    %select_n3A_562 = arith.select %eq3A_557, %broadcast_in_dim3A_560, %broadcast_in_dim3A_561 : vector<256x32xi1>, vector<256x32xi32>
    %add3A_563 = arith.addi %add3A_538, %select_n3A_562 : vector<256x32xi32>
    %reduce_max3A_564 = arith.constant dense<0xFF800000> : vector<256xf32>
    %reduce_max3A_565 = vector.multi_reduction <maximumf>, %select_n3A_554, %reduce_max3A_564 [1] : vector<256x200xf32> to vector<256xf32>
    %broadcast_in_dim3A_566 = vector.shape_cast %reduce_max3A_565 : vector<256xf32> to vector<256x1xf32>
    %eq3A_567 = vector.broadcast %broadcast_in_dim3A_566 : vector<256x1xf32> to vector<256x200xf32>
    %eq3A_568 = arith.cmpf oeq, %select_n3A_554, %eq3A_567 : vector<256x200xf32>
    %jit3A_569 = arith.constant 2147483647 : i32
    %broadcast_in_dim3A_570 = vector.broadcast %jit3A_569 : i32 to vector<256x200xi32>
    %select_n3A_571 = arith.select %eq3A_568, %concatenate3A_136, %broadcast_in_dim3A_570 : vector<256x200xi1>, vector<256x200xi32>
    %reduce_min3A_572 = arith.constant dense<2147483647> : vector<256xi32>
    %reduce_min3A_573 = vector.multi_reduction <minsi>, %select_n3A_571, %reduce_min3A_572 [1] : vector<256x200xi32> to vector<256xi32>
    %broadcast_in_dim3A_574 = vector.shape_cast %reduce_min3A_573 : vector<256xi32> to vector<256x1xi32>
    %eq3A_575 = vector.broadcast %broadcast_in_dim3A_574 : vector<256x1xi32> to vector<256x200xi32>
    %eq3A_576 = arith.cmpi eq, %concatenate3A_136, %eq3A_575 : vector<256x200xi32>
    %jit3A_577 = arith.constant -3.000000e+38 : f32
    %broadcast_in_dim3A_578 = vector.broadcast %jit3A_577 : f32 to vector<256x200xf32>
    %select_n3A_579 = arith.select %eq3A_576, %broadcast_in_dim3A_578, %select_n3A_554 : vector<256x200xi1>, vector<256x200xf32>
    %eq3A_580 = arith.constant 17 : i32
    %eq3A_581 = vector.broadcast %eq3A_580 : i32 to vector<256x32xi32>
    %eq3A_582 = arith.cmpi eq, %iota3A_13, %eq3A_581 : vector<256x32xi32>
    %jit3A_583 = arith.constant 0 : i32
    %broadcast_in_dim3A_584 = vector.shape_cast %broadcast_in_dim3A_574 : vector<256x1xi32> to vector<256x1xi32>
    %broadcast_in_dim3A_585 = vector.broadcast %broadcast_in_dim3A_584 : vector<256x1xi32> to vector<256x32xi32>
    %broadcast_in_dim3A_586 = vector.broadcast %jit3A_583 : i32 to vector<256x32xi32>
    %select_n3A_587 = arith.select %eq3A_582, %broadcast_in_dim3A_585, %broadcast_in_dim3A_586 : vector<256x32xi1>, vector<256x32xi32>
    %add3A_588 = arith.addi %add3A_563, %select_n3A_587 : vector<256x32xi32>
    %reduce_max3A_589 = arith.constant dense<0xFF800000> : vector<256xf32>
    %reduce_max3A_590 = vector.multi_reduction <maximumf>, %select_n3A_579, %reduce_max3A_589 [1] : vector<256x200xf32> to vector<256xf32>
    %broadcast_in_dim3A_591 = vector.shape_cast %reduce_max3A_590 : vector<256xf32> to vector<256x1xf32>
    %eq3A_592 = vector.broadcast %broadcast_in_dim3A_591 : vector<256x1xf32> to vector<256x200xf32>
    %eq3A_593 = arith.cmpf oeq, %select_n3A_579, %eq3A_592 : vector<256x200xf32>
    %jit3A_594 = arith.constant 2147483647 : i32
    %broadcast_in_dim3A_595 = vector.broadcast %jit3A_594 : i32 to vector<256x200xi32>
    %select_n3A_596 = arith.select %eq3A_593, %concatenate3A_136, %broadcast_in_dim3A_595 : vector<256x200xi1>, vector<256x200xi32>
    %reduce_min3A_597 = arith.constant dense<2147483647> : vector<256xi32>
    %reduce_min3A_598 = vector.multi_reduction <minsi>, %select_n3A_596, %reduce_min3A_597 [1] : vector<256x200xi32> to vector<256xi32>
    %broadcast_in_dim3A_599 = vector.shape_cast %reduce_min3A_598 : vector<256xi32> to vector<256x1xi32>
    %eq3A_600 = vector.broadcast %broadcast_in_dim3A_599 : vector<256x1xi32> to vector<256x200xi32>
    %eq3A_601 = arith.cmpi eq, %concatenate3A_136, %eq3A_600 : vector<256x200xi32>
    %jit3A_602 = arith.constant -3.000000e+38 : f32
    %broadcast_in_dim3A_603 = vector.broadcast %jit3A_602 : f32 to vector<256x200xf32>
    %select_n3A_604 = arith.select %eq3A_601, %broadcast_in_dim3A_603, %select_n3A_579 : vector<256x200xi1>, vector<256x200xf32>
    %eq3A_605 = arith.constant 18 : i32
    %eq3A_606 = vector.broadcast %eq3A_605 : i32 to vector<256x32xi32>
    %eq3A_607 = arith.cmpi eq, %iota3A_13, %eq3A_606 : vector<256x32xi32>
    %jit3A_608 = arith.constant 0 : i32
    %broadcast_in_dim3A_609 = vector.shape_cast %broadcast_in_dim3A_599 : vector<256x1xi32> to vector<256x1xi32>
    %broadcast_in_dim3A_610 = vector.broadcast %broadcast_in_dim3A_609 : vector<256x1xi32> to vector<256x32xi32>
    %broadcast_in_dim3A_611 = vector.broadcast %jit3A_608 : i32 to vector<256x32xi32>
    %select_n3A_612 = arith.select %eq3A_607, %broadcast_in_dim3A_610, %broadcast_in_dim3A_611 : vector<256x32xi1>, vector<256x32xi32>
    %add3A_613 = arith.addi %add3A_588, %select_n3A_612 : vector<256x32xi32>
    %reduce_max3A_614 = arith.constant dense<0xFF800000> : vector<256xf32>
    %reduce_max3A_615 = vector.multi_reduction <maximumf>, %select_n3A_604, %reduce_max3A_614 [1] : vector<256x200xf32> to vector<256xf32>
    %broadcast_in_dim3A_616 = vector.shape_cast %reduce_max3A_615 : vector<256xf32> to vector<256x1xf32>
    %eq3A_617 = vector.broadcast %broadcast_in_dim3A_616 : vector<256x1xf32> to vector<256x200xf32>
    %eq3A_618 = arith.cmpf oeq, %select_n3A_604, %eq3A_617 : vector<256x200xf32>
    %jit3A_619 = arith.constant 2147483647 : i32
    %broadcast_in_dim3A_620 = vector.broadcast %jit3A_619 : i32 to vector<256x200xi32>
    %select_n3A_621 = arith.select %eq3A_618, %concatenate3A_136, %broadcast_in_dim3A_620 : vector<256x200xi1>, vector<256x200xi32>
    %reduce_min3A_622 = arith.constant dense<2147483647> : vector<256xi32>
    %reduce_min3A_623 = vector.multi_reduction <minsi>, %select_n3A_621, %reduce_min3A_622 [1] : vector<256x200xi32> to vector<256xi32>
    %broadcast_in_dim3A_624 = vector.shape_cast %reduce_min3A_623 : vector<256xi32> to vector<256x1xi32>
    %eq3A_625 = vector.broadcast %broadcast_in_dim3A_624 : vector<256x1xi32> to vector<256x200xi32>
    %eq3A_626 = arith.cmpi eq, %concatenate3A_136, %eq3A_625 : vector<256x200xi32>
    %jit3A_627 = arith.constant -3.000000e+38 : f32
    %broadcast_in_dim3A_628 = vector.broadcast %jit3A_627 : f32 to vector<256x200xf32>
    %select_n3A_629 = arith.select %eq3A_626, %broadcast_in_dim3A_628, %select_n3A_604 : vector<256x200xi1>, vector<256x200xf32>
    %eq3A_630 = arith.constant 19 : i32
    %eq3A_631 = vector.broadcast %eq3A_630 : i32 to vector<256x32xi32>
    %eq3A_632 = arith.cmpi eq, %iota3A_13, %eq3A_631 : vector<256x32xi32>
    %jit3A_633 = arith.constant 0 : i32
    %broadcast_in_dim3A_634 = vector.shape_cast %broadcast_in_dim3A_624 : vector<256x1xi32> to vector<256x1xi32>
    %broadcast_in_dim3A_635 = vector.broadcast %broadcast_in_dim3A_634 : vector<256x1xi32> to vector<256x32xi32>
    %broadcast_in_dim3A_636 = vector.broadcast %jit3A_633 : i32 to vector<256x32xi32>
    %select_n3A_637 = arith.select %eq3A_632, %broadcast_in_dim3A_635, %broadcast_in_dim3A_636 : vector<256x32xi1>, vector<256x32xi32>
    %add3A_638 = arith.addi %add3A_613, %select_n3A_637 : vector<256x32xi32>
    %reduce_max3A_639 = arith.constant dense<0xFF800000> : vector<256xf32>
    %reduce_max3A_640 = vector.multi_reduction <maximumf>, %select_n3A_629, %reduce_max3A_639 [1] : vector<256x200xf32> to vector<256xf32>
    %broadcast_in_dim3A_641 = vector.shape_cast %reduce_max3A_640 : vector<256xf32> to vector<256x1xf32>
    %eq3A_642 = vector.broadcast %broadcast_in_dim3A_641 : vector<256x1xf32> to vector<256x200xf32>
    %eq3A_643 = arith.cmpf oeq, %select_n3A_629, %eq3A_642 : vector<256x200xf32>
    %jit3A_644 = arith.constant 2147483647 : i32
    %broadcast_in_dim3A_645 = vector.broadcast %jit3A_644 : i32 to vector<256x200xi32>
    %select_n3A_646 = arith.select %eq3A_643, %concatenate3A_136, %broadcast_in_dim3A_645 : vector<256x200xi1>, vector<256x200xi32>
    %reduce_min3A_647 = arith.constant dense<2147483647> : vector<256xi32>
    %reduce_min3A_648 = vector.multi_reduction <minsi>, %select_n3A_646, %reduce_min3A_647 [1] : vector<256x200xi32> to vector<256xi32>
    %broadcast_in_dim3A_649 = vector.shape_cast %reduce_min3A_648 : vector<256xi32> to vector<256x1xi32>
    %eq3A_650 = vector.broadcast %broadcast_in_dim3A_649 : vector<256x1xi32> to vector<256x200xi32>
    %eq3A_651 = arith.cmpi eq, %concatenate3A_136, %eq3A_650 : vector<256x200xi32>
    %jit3A_652 = arith.constant -3.000000e+38 : f32
    %broadcast_in_dim3A_653 = vector.broadcast %jit3A_652 : f32 to vector<256x200xf32>
    %select_n3A_654 = arith.select %eq3A_651, %broadcast_in_dim3A_653, %select_n3A_629 : vector<256x200xi1>, vector<256x200xf32>
    %eq3A_655 = arith.constant 20 : i32
    %eq3A_656 = vector.broadcast %eq3A_655 : i32 to vector<256x32xi32>
    %eq3A_657 = arith.cmpi eq, %iota3A_13, %eq3A_656 : vector<256x32xi32>
    %jit3A_658 = arith.constant 0 : i32
    %broadcast_in_dim3A_659 = vector.shape_cast %broadcast_in_dim3A_649 : vector<256x1xi32> to vector<256x1xi32>
    %broadcast_in_dim3A_660 = vector.broadcast %broadcast_in_dim3A_659 : vector<256x1xi32> to vector<256x32xi32>
    %broadcast_in_dim3A_661 = vector.broadcast %jit3A_658 : i32 to vector<256x32xi32>
    %select_n3A_662 = arith.select %eq3A_657, %broadcast_in_dim3A_660, %broadcast_in_dim3A_661 : vector<256x32xi1>, vector<256x32xi32>
    %add3A_663 = arith.addi %add3A_638, %select_n3A_662 : vector<256x32xi32>
    %reduce_max3A_664 = arith.constant dense<0xFF800000> : vector<256xf32>
    %reduce_max3A_665 = vector.multi_reduction <maximumf>, %select_n3A_654, %reduce_max3A_664 [1] : vector<256x200xf32> to vector<256xf32>
    %broadcast_in_dim3A_666 = vector.shape_cast %reduce_max3A_665 : vector<256xf32> to vector<256x1xf32>
    %eq3A_667 = vector.broadcast %broadcast_in_dim3A_666 : vector<256x1xf32> to vector<256x200xf32>
    %eq3A_668 = arith.cmpf oeq, %select_n3A_654, %eq3A_667 : vector<256x200xf32>
    %jit3A_669 = arith.constant 2147483647 : i32
    %broadcast_in_dim3A_670 = vector.broadcast %jit3A_669 : i32 to vector<256x200xi32>
    %select_n3A_671 = arith.select %eq3A_668, %concatenate3A_136, %broadcast_in_dim3A_670 : vector<256x200xi1>, vector<256x200xi32>
    %reduce_min3A_672 = arith.constant dense<2147483647> : vector<256xi32>
    %reduce_min3A_673 = vector.multi_reduction <minsi>, %select_n3A_671, %reduce_min3A_672 [1] : vector<256x200xi32> to vector<256xi32>
    %broadcast_in_dim3A_674 = vector.shape_cast %reduce_min3A_673 : vector<256xi32> to vector<256x1xi32>
    %eq3A_675 = vector.broadcast %broadcast_in_dim3A_674 : vector<256x1xi32> to vector<256x200xi32>
    %eq3A_676 = arith.cmpi eq, %concatenate3A_136, %eq3A_675 : vector<256x200xi32>
    %jit3A_677 = arith.constant -3.000000e+38 : f32
    %broadcast_in_dim3A_678 = vector.broadcast %jit3A_677 : f32 to vector<256x200xf32>
    %select_n3A_679 = arith.select %eq3A_676, %broadcast_in_dim3A_678, %select_n3A_654 : vector<256x200xi1>, vector<256x200xf32>
    %eq3A_680 = arith.constant 21 : i32
    %eq3A_681 = vector.broadcast %eq3A_680 : i32 to vector<256x32xi32>
    %eq3A_682 = arith.cmpi eq, %iota3A_13, %eq3A_681 : vector<256x32xi32>
    %jit3A_683 = arith.constant 0 : i32
    %broadcast_in_dim3A_684 = vector.shape_cast %broadcast_in_dim3A_674 : vector<256x1xi32> to vector<256x1xi32>
    %broadcast_in_dim3A_685 = vector.broadcast %broadcast_in_dim3A_684 : vector<256x1xi32> to vector<256x32xi32>
    %broadcast_in_dim3A_686 = vector.broadcast %jit3A_683 : i32 to vector<256x32xi32>
    %select_n3A_687 = arith.select %eq3A_682, %broadcast_in_dim3A_685, %broadcast_in_dim3A_686 : vector<256x32xi1>, vector<256x32xi32>
    %add3A_688 = arith.addi %add3A_663, %select_n3A_687 : vector<256x32xi32>
    %reduce_max3A_689 = arith.constant dense<0xFF800000> : vector<256xf32>
    %reduce_max3A_690 = vector.multi_reduction <maximumf>, %select_n3A_679, %reduce_max3A_689 [1] : vector<256x200xf32> to vector<256xf32>
    %broadcast_in_dim3A_691 = vector.shape_cast %reduce_max3A_690 : vector<256xf32> to vector<256x1xf32>
    %eq3A_692 = vector.broadcast %broadcast_in_dim3A_691 : vector<256x1xf32> to vector<256x200xf32>
    %eq3A_693 = arith.cmpf oeq, %select_n3A_679, %eq3A_692 : vector<256x200xf32>
    %jit3A_694 = arith.constant 2147483647 : i32
    %broadcast_in_dim3A_695 = vector.broadcast %jit3A_694 : i32 to vector<256x200xi32>
    %select_n3A_696 = arith.select %eq3A_693, %concatenate3A_136, %broadcast_in_dim3A_695 : vector<256x200xi1>, vector<256x200xi32>
    %reduce_min3A_697 = arith.constant dense<2147483647> : vector<256xi32>
    %reduce_min3A_698 = vector.multi_reduction <minsi>, %select_n3A_696, %reduce_min3A_697 [1] : vector<256x200xi32> to vector<256xi32>
    %broadcast_in_dim3A_699 = vector.shape_cast %reduce_min3A_698 : vector<256xi32> to vector<256x1xi32>
    %eq3A_700 = vector.broadcast %broadcast_in_dim3A_699 : vector<256x1xi32> to vector<256x200xi32>
    %eq3A_701 = arith.cmpi eq, %concatenate3A_136, %eq3A_700 : vector<256x200xi32>
    %jit3A_702 = arith.constant -3.000000e+38 : f32
    %broadcast_in_dim3A_703 = vector.broadcast %jit3A_702 : f32 to vector<256x200xf32>
    %select_n3A_704 = arith.select %eq3A_701, %broadcast_in_dim3A_703, %select_n3A_679 : vector<256x200xi1>, vector<256x200xf32>
    %eq3A_705 = arith.constant 22 : i32
    %eq3A_706 = vector.broadcast %eq3A_705 : i32 to vector<256x32xi32>
    %eq3A_707 = arith.cmpi eq, %iota3A_13, %eq3A_706 : vector<256x32xi32>
    %jit3A_708 = arith.constant 0 : i32
    %broadcast_in_dim3A_709 = vector.shape_cast %broadcast_in_dim3A_699 : vector<256x1xi32> to vector<256x1xi32>
    %broadcast_in_dim3A_710 = vector.broadcast %broadcast_in_dim3A_709 : vector<256x1xi32> to vector<256x32xi32>
    %broadcast_in_dim3A_711 = vector.broadcast %jit3A_708 : i32 to vector<256x32xi32>
    %select_n3A_712 = arith.select %eq3A_707, %broadcast_in_dim3A_710, %broadcast_in_dim3A_711 : vector<256x32xi1>, vector<256x32xi32>
    %add3A_713 = arith.addi %add3A_688, %select_n3A_712 : vector<256x32xi32>
    %reduce_max3A_714 = arith.constant dense<0xFF800000> : vector<256xf32>
    %reduce_max3A_715 = vector.multi_reduction <maximumf>, %select_n3A_704, %reduce_max3A_714 [1] : vector<256x200xf32> to vector<256xf32>
    %broadcast_in_dim3A_716 = vector.shape_cast %reduce_max3A_715 : vector<256xf32> to vector<256x1xf32>
    %eq3A_717 = vector.broadcast %broadcast_in_dim3A_716 : vector<256x1xf32> to vector<256x200xf32>
    %eq3A_718 = arith.cmpf oeq, %select_n3A_704, %eq3A_717 : vector<256x200xf32>
    %jit3A_719 = arith.constant 2147483647 : i32
    %broadcast_in_dim3A_720 = vector.broadcast %jit3A_719 : i32 to vector<256x200xi32>
    %select_n3A_721 = arith.select %eq3A_718, %concatenate3A_136, %broadcast_in_dim3A_720 : vector<256x200xi1>, vector<256x200xi32>
    %reduce_min3A_722 = arith.constant dense<2147483647> : vector<256xi32>
    %reduce_min3A_723 = vector.multi_reduction <minsi>, %select_n3A_721, %reduce_min3A_722 [1] : vector<256x200xi32> to vector<256xi32>
    %broadcast_in_dim3A_724 = vector.shape_cast %reduce_min3A_723 : vector<256xi32> to vector<256x1xi32>
    %eq3A_725 = vector.broadcast %broadcast_in_dim3A_724 : vector<256x1xi32> to vector<256x200xi32>
    %eq3A_726 = arith.cmpi eq, %concatenate3A_136, %eq3A_725 : vector<256x200xi32>
    %jit3A_727 = arith.constant -3.000000e+38 : f32
    %broadcast_in_dim3A_728 = vector.broadcast %jit3A_727 : f32 to vector<256x200xf32>
    %select_n3A_729 = arith.select %eq3A_726, %broadcast_in_dim3A_728, %select_n3A_704 : vector<256x200xi1>, vector<256x200xf32>
    %eq3A_730 = arith.constant 23 : i32
    %eq3A_731 = vector.broadcast %eq3A_730 : i32 to vector<256x32xi32>
    %eq3A_732 = arith.cmpi eq, %iota3A_13, %eq3A_731 : vector<256x32xi32>
    %jit3A_733 = arith.constant 0 : i32
    %broadcast_in_dim3A_734 = vector.shape_cast %broadcast_in_dim3A_724 : vector<256x1xi32> to vector<256x1xi32>
    %broadcast_in_dim3A_735 = vector.broadcast %broadcast_in_dim3A_734 : vector<256x1xi32> to vector<256x32xi32>
    %broadcast_in_dim3A_736 = vector.broadcast %jit3A_733 : i32 to vector<256x32xi32>
    %select_n3A_737 = arith.select %eq3A_732, %broadcast_in_dim3A_735, %broadcast_in_dim3A_736 : vector<256x32xi1>, vector<256x32xi32>
    %add3A_738 = arith.addi %add3A_713, %select_n3A_737 : vector<256x32xi32>
    %reduce_max3A_739 = arith.constant dense<0xFF800000> : vector<256xf32>
    %reduce_max3A_740 = vector.multi_reduction <maximumf>, %select_n3A_729, %reduce_max3A_739 [1] : vector<256x200xf32> to vector<256xf32>
    %broadcast_in_dim3A_741 = vector.shape_cast %reduce_max3A_740 : vector<256xf32> to vector<256x1xf32>
    %eq3A_742 = vector.broadcast %broadcast_in_dim3A_741 : vector<256x1xf32> to vector<256x200xf32>
    %eq3A_743 = arith.cmpf oeq, %select_n3A_729, %eq3A_742 : vector<256x200xf32>
    %jit3A_744 = arith.constant 2147483647 : i32
    %broadcast_in_dim3A_745 = vector.broadcast %jit3A_744 : i32 to vector<256x200xi32>
    %select_n3A_746 = arith.select %eq3A_743, %concatenate3A_136, %broadcast_in_dim3A_745 : vector<256x200xi1>, vector<256x200xi32>
    %reduce_min3A_747 = arith.constant dense<2147483647> : vector<256xi32>
    %reduce_min3A_748 = vector.multi_reduction <minsi>, %select_n3A_746, %reduce_min3A_747 [1] : vector<256x200xi32> to vector<256xi32>
    %broadcast_in_dim3A_749 = vector.shape_cast %reduce_min3A_748 : vector<256xi32> to vector<256x1xi32>
    %eq3A_750 = vector.broadcast %broadcast_in_dim3A_749 : vector<256x1xi32> to vector<256x200xi32>
    %eq3A_751 = arith.cmpi eq, %concatenate3A_136, %eq3A_750 : vector<256x200xi32>
    %jit3A_752 = arith.constant -3.000000e+38 : f32
    %broadcast_in_dim3A_753 = vector.broadcast %jit3A_752 : f32 to vector<256x200xf32>
    %select_n3A_754 = arith.select %eq3A_751, %broadcast_in_dim3A_753, %select_n3A_729 : vector<256x200xi1>, vector<256x200xf32>
    %eq3A_755 = arith.constant 24 : i32
    %eq3A_756 = vector.broadcast %eq3A_755 : i32 to vector<256x32xi32>
    %eq3A_757 = arith.cmpi eq, %iota3A_13, %eq3A_756 : vector<256x32xi32>
    %jit3A_758 = arith.constant 0 : i32
    %broadcast_in_dim3A_759 = vector.shape_cast %broadcast_in_dim3A_749 : vector<256x1xi32> to vector<256x1xi32>
    %broadcast_in_dim3A_760 = vector.broadcast %broadcast_in_dim3A_759 : vector<256x1xi32> to vector<256x32xi32>
    %broadcast_in_dim3A_761 = vector.broadcast %jit3A_758 : i32 to vector<256x32xi32>
    %select_n3A_762 = arith.select %eq3A_757, %broadcast_in_dim3A_760, %broadcast_in_dim3A_761 : vector<256x32xi1>, vector<256x32xi32>
    %add3A_763 = arith.addi %add3A_738, %select_n3A_762 : vector<256x32xi32>
    %reduce_max3A_764 = arith.constant dense<0xFF800000> : vector<256xf32>
    %reduce_max3A_765 = vector.multi_reduction <maximumf>, %select_n3A_754, %reduce_max3A_764 [1] : vector<256x200xf32> to vector<256xf32>
    %broadcast_in_dim3A_766 = vector.shape_cast %reduce_max3A_765 : vector<256xf32> to vector<256x1xf32>
    %eq3A_767 = vector.broadcast %broadcast_in_dim3A_766 : vector<256x1xf32> to vector<256x200xf32>
    %eq3A_768 = arith.cmpf oeq, %select_n3A_754, %eq3A_767 : vector<256x200xf32>
    %jit3A_769 = arith.constant 2147483647 : i32
    %broadcast_in_dim3A_770 = vector.broadcast %jit3A_769 : i32 to vector<256x200xi32>
    %select_n3A_771 = arith.select %eq3A_768, %concatenate3A_136, %broadcast_in_dim3A_770 : vector<256x200xi1>, vector<256x200xi32>
    %reduce_min3A_772 = arith.constant dense<2147483647> : vector<256xi32>
    %reduce_min3A_773 = vector.multi_reduction <minsi>, %select_n3A_771, %reduce_min3A_772 [1] : vector<256x200xi32> to vector<256xi32>
    %broadcast_in_dim3A_774 = vector.shape_cast %reduce_min3A_773 : vector<256xi32> to vector<256x1xi32>
    %eq3A_775 = vector.broadcast %broadcast_in_dim3A_774 : vector<256x1xi32> to vector<256x200xi32>
    %eq3A_776 = arith.cmpi eq, %concatenate3A_136, %eq3A_775 : vector<256x200xi32>
    %jit3A_777 = arith.constant -3.000000e+38 : f32
    %broadcast_in_dim3A_778 = vector.broadcast %jit3A_777 : f32 to vector<256x200xf32>
    %select_n3A_779 = arith.select %eq3A_776, %broadcast_in_dim3A_778, %select_n3A_754 : vector<256x200xi1>, vector<256x200xf32>
    %eq3A_780 = arith.constant 25 : i32
    %eq3A_781 = vector.broadcast %eq3A_780 : i32 to vector<256x32xi32>
    %eq3A_782 = arith.cmpi eq, %iota3A_13, %eq3A_781 : vector<256x32xi32>
    %jit3A_783 = arith.constant 0 : i32
    %broadcast_in_dim3A_784 = vector.shape_cast %broadcast_in_dim3A_774 : vector<256x1xi32> to vector<256x1xi32>
    %broadcast_in_dim3A_785 = vector.broadcast %broadcast_in_dim3A_784 : vector<256x1xi32> to vector<256x32xi32>
    %broadcast_in_dim3A_786 = vector.broadcast %jit3A_783 : i32 to vector<256x32xi32>
    %select_n3A_787 = arith.select %eq3A_782, %broadcast_in_dim3A_785, %broadcast_in_dim3A_786 : vector<256x32xi1>, vector<256x32xi32>
    %add3A_788 = arith.addi %add3A_763, %select_n3A_787 : vector<256x32xi32>
    %reduce_max3A_789 = arith.constant dense<0xFF800000> : vector<256xf32>
    %reduce_max3A_790 = vector.multi_reduction <maximumf>, %select_n3A_779, %reduce_max3A_789 [1] : vector<256x200xf32> to vector<256xf32>
    %broadcast_in_dim3A_791 = vector.shape_cast %reduce_max3A_790 : vector<256xf32> to vector<256x1xf32>
    %eq3A_792 = vector.broadcast %broadcast_in_dim3A_791 : vector<256x1xf32> to vector<256x200xf32>
    %eq3A_793 = arith.cmpf oeq, %select_n3A_779, %eq3A_792 : vector<256x200xf32>
    %jit3A_794 = arith.constant 2147483647 : i32
    %broadcast_in_dim3A_795 = vector.broadcast %jit3A_794 : i32 to vector<256x200xi32>
    %select_n3A_796 = arith.select %eq3A_793, %concatenate3A_136, %broadcast_in_dim3A_795 : vector<256x200xi1>, vector<256x200xi32>
    %reduce_min3A_797 = arith.constant dense<2147483647> : vector<256xi32>
    %reduce_min3A_798 = vector.multi_reduction <minsi>, %select_n3A_796, %reduce_min3A_797 [1] : vector<256x200xi32> to vector<256xi32>
    %broadcast_in_dim3A_799 = vector.shape_cast %reduce_min3A_798 : vector<256xi32> to vector<256x1xi32>
    %eq3A_800 = vector.broadcast %broadcast_in_dim3A_799 : vector<256x1xi32> to vector<256x200xi32>
    %eq3A_801 = arith.cmpi eq, %concatenate3A_136, %eq3A_800 : vector<256x200xi32>
    %jit3A_802 = arith.constant -3.000000e+38 : f32
    %broadcast_in_dim3A_803 = vector.broadcast %jit3A_802 : f32 to vector<256x200xf32>
    %select_n3A_804 = arith.select %eq3A_801, %broadcast_in_dim3A_803, %select_n3A_779 : vector<256x200xi1>, vector<256x200xf32>
    %eq3A_805 = arith.constant 26 : i32
    %eq3A_806 = vector.broadcast %eq3A_805 : i32 to vector<256x32xi32>
    %eq3A_807 = arith.cmpi eq, %iota3A_13, %eq3A_806 : vector<256x32xi32>
    %jit3A_808 = arith.constant 0 : i32
    %broadcast_in_dim3A_809 = vector.shape_cast %broadcast_in_dim3A_799 : vector<256x1xi32> to vector<256x1xi32>
    %broadcast_in_dim3A_810 = vector.broadcast %broadcast_in_dim3A_809 : vector<256x1xi32> to vector<256x32xi32>
    %broadcast_in_dim3A_811 = vector.broadcast %jit3A_808 : i32 to vector<256x32xi32>
    %select_n3A_812 = arith.select %eq3A_807, %broadcast_in_dim3A_810, %broadcast_in_dim3A_811 : vector<256x32xi1>, vector<256x32xi32>
    %add3A_813 = arith.addi %add3A_788, %select_n3A_812 : vector<256x32xi32>
    %reduce_max3A_814 = arith.constant dense<0xFF800000> : vector<256xf32>
    %reduce_max3A_815 = vector.multi_reduction <maximumf>, %select_n3A_804, %reduce_max3A_814 [1] : vector<256x200xf32> to vector<256xf32>
    %broadcast_in_dim3A_816 = vector.shape_cast %reduce_max3A_815 : vector<256xf32> to vector<256x1xf32>
    %eq3A_817 = vector.broadcast %broadcast_in_dim3A_816 : vector<256x1xf32> to vector<256x200xf32>
    %eq3A_818 = arith.cmpf oeq, %select_n3A_804, %eq3A_817 : vector<256x200xf32>
    %jit3A_819 = arith.constant 2147483647 : i32
    %broadcast_in_dim3A_820 = vector.broadcast %jit3A_819 : i32 to vector<256x200xi32>
    %select_n3A_821 = arith.select %eq3A_818, %concatenate3A_136, %broadcast_in_dim3A_820 : vector<256x200xi1>, vector<256x200xi32>
    %reduce_min3A_822 = arith.constant dense<2147483647> : vector<256xi32>
    %reduce_min3A_823 = vector.multi_reduction <minsi>, %select_n3A_821, %reduce_min3A_822 [1] : vector<256x200xi32> to vector<256xi32>
    %broadcast_in_dim3A_824 = vector.shape_cast %reduce_min3A_823 : vector<256xi32> to vector<256x1xi32>
    %eq3A_825 = vector.broadcast %broadcast_in_dim3A_824 : vector<256x1xi32> to vector<256x200xi32>
    %eq3A_826 = arith.cmpi eq, %concatenate3A_136, %eq3A_825 : vector<256x200xi32>
    %jit3A_827 = arith.constant -3.000000e+38 : f32
    %broadcast_in_dim3A_828 = vector.broadcast %jit3A_827 : f32 to vector<256x200xf32>
    %select_n3A_829 = arith.select %eq3A_826, %broadcast_in_dim3A_828, %select_n3A_804 : vector<256x200xi1>, vector<256x200xf32>
    %eq3A_830 = arith.constant 27 : i32
    %eq3A_831 = vector.broadcast %eq3A_830 : i32 to vector<256x32xi32>
    %eq3A_832 = arith.cmpi eq, %iota3A_13, %eq3A_831 : vector<256x32xi32>
    %jit3A_833 = arith.constant 0 : i32
    %broadcast_in_dim3A_834 = vector.shape_cast %broadcast_in_dim3A_824 : vector<256x1xi32> to vector<256x1xi32>
    %broadcast_in_dim3A_835 = vector.broadcast %broadcast_in_dim3A_834 : vector<256x1xi32> to vector<256x32xi32>
    %broadcast_in_dim3A_836 = vector.broadcast %jit3A_833 : i32 to vector<256x32xi32>
    %select_n3A_837 = arith.select %eq3A_832, %broadcast_in_dim3A_835, %broadcast_in_dim3A_836 : vector<256x32xi1>, vector<256x32xi32>
    %add3A_838 = arith.addi %add3A_813, %select_n3A_837 : vector<256x32xi32>
    %reduce_max3A_839 = arith.constant dense<0xFF800000> : vector<256xf32>
    %reduce_max3A_840 = vector.multi_reduction <maximumf>, %select_n3A_829, %reduce_max3A_839 [1] : vector<256x200xf32> to vector<256xf32>
    %broadcast_in_dim3A_841 = vector.shape_cast %reduce_max3A_840 : vector<256xf32> to vector<256x1xf32>
    %eq3A_842 = vector.broadcast %broadcast_in_dim3A_841 : vector<256x1xf32> to vector<256x200xf32>
    %eq3A_843 = arith.cmpf oeq, %select_n3A_829, %eq3A_842 : vector<256x200xf32>
    %jit3A_844 = arith.constant 2147483647 : i32
    %broadcast_in_dim3A_845 = vector.broadcast %jit3A_844 : i32 to vector<256x200xi32>
    %select_n3A_846 = arith.select %eq3A_843, %concatenate3A_136, %broadcast_in_dim3A_845 : vector<256x200xi1>, vector<256x200xi32>
    %reduce_min3A_847 = arith.constant dense<2147483647> : vector<256xi32>
    %reduce_min3A_848 = vector.multi_reduction <minsi>, %select_n3A_846, %reduce_min3A_847 [1] : vector<256x200xi32> to vector<256xi32>
    %broadcast_in_dim3A_849 = vector.shape_cast %reduce_min3A_848 : vector<256xi32> to vector<256x1xi32>
    %eq3A_850 = vector.broadcast %broadcast_in_dim3A_849 : vector<256x1xi32> to vector<256x200xi32>
    %eq3A_851 = arith.cmpi eq, %concatenate3A_136, %eq3A_850 : vector<256x200xi32>
    %jit3A_852 = arith.constant -3.000000e+38 : f32
    %broadcast_in_dim3A_853 = vector.broadcast %jit3A_852 : f32 to vector<256x200xf32>
    %select_n3A_854 = arith.select %eq3A_851, %broadcast_in_dim3A_853, %select_n3A_829 : vector<256x200xi1>, vector<256x200xf32>
    %eq3A_855 = arith.constant 28 : i32
    %eq3A_856 = vector.broadcast %eq3A_855 : i32 to vector<256x32xi32>
    %eq3A_857 = arith.cmpi eq, %iota3A_13, %eq3A_856 : vector<256x32xi32>
    %jit3A_858 = arith.constant 0 : i32
    %broadcast_in_dim3A_859 = vector.shape_cast %broadcast_in_dim3A_849 : vector<256x1xi32> to vector<256x1xi32>
    %broadcast_in_dim3A_860 = vector.broadcast %broadcast_in_dim3A_859 : vector<256x1xi32> to vector<256x32xi32>
    %broadcast_in_dim3A_861 = vector.broadcast %jit3A_858 : i32 to vector<256x32xi32>
    %select_n3A_862 = arith.select %eq3A_857, %broadcast_in_dim3A_860, %broadcast_in_dim3A_861 : vector<256x32xi1>, vector<256x32xi32>
    %add3A_863 = arith.addi %add3A_838, %select_n3A_862 : vector<256x32xi32>
    %reduce_max3A_864 = arith.constant dense<0xFF800000> : vector<256xf32>
    %reduce_max3A_865 = vector.multi_reduction <maximumf>, %select_n3A_854, %reduce_max3A_864 [1] : vector<256x200xf32> to vector<256xf32>
    %broadcast_in_dim3A_866 = vector.shape_cast %reduce_max3A_865 : vector<256xf32> to vector<256x1xf32>
    %eq3A_867 = vector.broadcast %broadcast_in_dim3A_866 : vector<256x1xf32> to vector<256x200xf32>
    %eq3A_868 = arith.cmpf oeq, %select_n3A_854, %eq3A_867 : vector<256x200xf32>
    %jit3A_869 = arith.constant 2147483647 : i32
    %broadcast_in_dim3A_870 = vector.broadcast %jit3A_869 : i32 to vector<256x200xi32>
    %select_n3A_871 = arith.select %eq3A_868, %concatenate3A_136, %broadcast_in_dim3A_870 : vector<256x200xi1>, vector<256x200xi32>
    %reduce_min3A_872 = arith.constant dense<2147483647> : vector<256xi32>
    %reduce_min3A_873 = vector.multi_reduction <minsi>, %select_n3A_871, %reduce_min3A_872 [1] : vector<256x200xi32> to vector<256xi32>
    %broadcast_in_dim3A_874 = vector.shape_cast %reduce_min3A_873 : vector<256xi32> to vector<256x1xi32>
    %eq3A_875 = vector.broadcast %broadcast_in_dim3A_874 : vector<256x1xi32> to vector<256x200xi32>
    %eq3A_876 = arith.cmpi eq, %concatenate3A_136, %eq3A_875 : vector<256x200xi32>
    %jit3A_877 = arith.constant -3.000000e+38 : f32
    %broadcast_in_dim3A_878 = vector.broadcast %jit3A_877 : f32 to vector<256x200xf32>
    %select_n3A_879 = arith.select %eq3A_876, %broadcast_in_dim3A_878, %select_n3A_854 : vector<256x200xi1>, vector<256x200xf32>
    %eq3A_880 = arith.constant 29 : i32
    %eq3A_881 = vector.broadcast %eq3A_880 : i32 to vector<256x32xi32>
    %eq3A_882 = arith.cmpi eq, %iota3A_13, %eq3A_881 : vector<256x32xi32>
    %jit3A_883 = arith.constant 0 : i32
    %broadcast_in_dim3A_884 = vector.shape_cast %broadcast_in_dim3A_874 : vector<256x1xi32> to vector<256x1xi32>
    %broadcast_in_dim3A_885 = vector.broadcast %broadcast_in_dim3A_884 : vector<256x1xi32> to vector<256x32xi32>
    %broadcast_in_dim3A_886 = vector.broadcast %jit3A_883 : i32 to vector<256x32xi32>
    %select_n3A_887 = arith.select %eq3A_882, %broadcast_in_dim3A_885, %broadcast_in_dim3A_886 : vector<256x32xi1>, vector<256x32xi32>
    %add3A_888 = arith.addi %add3A_863, %select_n3A_887 : vector<256x32xi32>
    %reduce_max3A_889 = arith.constant dense<0xFF800000> : vector<256xf32>
    %reduce_max3A_890 = vector.multi_reduction <maximumf>, %select_n3A_879, %reduce_max3A_889 [1] : vector<256x200xf32> to vector<256xf32>
    %broadcast_in_dim3A_891 = vector.shape_cast %reduce_max3A_890 : vector<256xf32> to vector<256x1xf32>
    %eq3A_892 = vector.broadcast %broadcast_in_dim3A_891 : vector<256x1xf32> to vector<256x200xf32>
    %eq3A_893 = arith.cmpf oeq, %select_n3A_879, %eq3A_892 : vector<256x200xf32>
    %jit3A_894 = arith.constant 2147483647 : i32
    %broadcast_in_dim3A_895 = vector.broadcast %jit3A_894 : i32 to vector<256x200xi32>
    %select_n3A_896 = arith.select %eq3A_893, %concatenate3A_136, %broadcast_in_dim3A_895 : vector<256x200xi1>, vector<256x200xi32>
    %reduce_min3A_897 = arith.constant dense<2147483647> : vector<256xi32>
    %reduce_min3A_898 = vector.multi_reduction <minsi>, %select_n3A_896, %reduce_min3A_897 [1] : vector<256x200xi32> to vector<256xi32>
    %broadcast_in_dim3A_899 = vector.shape_cast %reduce_min3A_898 : vector<256xi32> to vector<256x1xi32>
    %eq3A_900 = vector.broadcast %broadcast_in_dim3A_899 : vector<256x1xi32> to vector<256x200xi32>
    %eq3A_901 = arith.cmpi eq, %concatenate3A_136, %eq3A_900 : vector<256x200xi32>
    %jit3A_902 = arith.constant -3.000000e+38 : f32
    %broadcast_in_dim3A_903 = vector.broadcast %jit3A_902 : f32 to vector<256x200xf32>
    %select_n3A_904 = arith.select %eq3A_901, %broadcast_in_dim3A_903, %select_n3A_879 : vector<256x200xi1>, vector<256x200xf32>
    %eq3A_905 = arith.constant 30 : i32
    %eq3A_906 = vector.broadcast %eq3A_905 : i32 to vector<256x32xi32>
    %eq3A_907 = arith.cmpi eq, %iota3A_13, %eq3A_906 : vector<256x32xi32>
    %jit3A_908 = arith.constant 0 : i32
    %broadcast_in_dim3A_909 = vector.shape_cast %broadcast_in_dim3A_899 : vector<256x1xi32> to vector<256x1xi32>
    %broadcast_in_dim3A_910 = vector.broadcast %broadcast_in_dim3A_909 : vector<256x1xi32> to vector<256x32xi32>
    %broadcast_in_dim3A_911 = vector.broadcast %jit3A_908 : i32 to vector<256x32xi32>
    %select_n3A_912 = arith.select %eq3A_907, %broadcast_in_dim3A_910, %broadcast_in_dim3A_911 : vector<256x32xi1>, vector<256x32xi32>
    %add3A_913 = arith.addi %add3A_888, %select_n3A_912 : vector<256x32xi32>
    %reduce_max3A_914 = arith.constant dense<0xFF800000> : vector<256xf32>
    %reduce_max3A_915 = vector.multi_reduction <maximumf>, %select_n3A_904, %reduce_max3A_914 [1] : vector<256x200xf32> to vector<256xf32>
    %broadcast_in_dim3A_916 = vector.shape_cast %reduce_max3A_915 : vector<256xf32> to vector<256x1xf32>
    %eq3A_917 = vector.broadcast %broadcast_in_dim3A_916 : vector<256x1xf32> to vector<256x200xf32>
    %eq3A_918 = arith.cmpf oeq, %select_n3A_904, %eq3A_917 : vector<256x200xf32>
    %jit3A_919 = arith.constant 2147483647 : i32
    %broadcast_in_dim3A_920 = vector.broadcast %jit3A_919 : i32 to vector<256x200xi32>
    %select_n3A_921 = arith.select %eq3A_918, %concatenate3A_136, %broadcast_in_dim3A_920 : vector<256x200xi1>, vector<256x200xi32>
    %reduce_min3A_922 = arith.constant dense<2147483647> : vector<256xi32>
    %reduce_min3A_923 = vector.multi_reduction <minsi>, %select_n3A_921, %reduce_min3A_922 [1] : vector<256x200xi32> to vector<256xi32>
    %broadcast_in_dim3A_924 = vector.shape_cast %reduce_min3A_923 : vector<256xi32> to vector<256x1xi32>
    %eq3A_925 = arith.constant 31 : i32
    %eq3A_926 = vector.broadcast %eq3A_925 : i32 to vector<256x32xi32>
    %eq3A_927 = arith.cmpi eq, %iota3A_13, %eq3A_926 : vector<256x32xi32>
    %jit3A_928 = arith.constant 0 : i32
    %broadcast_in_dim3A_929 = vector.shape_cast %broadcast_in_dim3A_924 : vector<256x1xi32> to vector<256x1xi32>
    %broadcast_in_dim3A_930 = vector.broadcast %broadcast_in_dim3A_929 : vector<256x1xi32> to vector<256x32xi32>
    %broadcast_in_dim3A_931 = vector.broadcast %jit3A_928 : i32 to vector<256x32xi32>
    %select_n3A_932 = arith.select %eq3A_927, %broadcast_in_dim3A_930, %broadcast_in_dim3A_931 : vector<256x32xi1>, vector<256x32xi32>
    %add3A_933 = arith.addi %add3A_913, %select_n3A_932 : vector<256x32xi32>
    %swap3A_934 = arith.constant 0 : index
    %swap3A_935 = arith.constant 0 : index
    %swap3A_936 = vector.load %arg3[%swap3A_934, %swap3A_935] : memref<256x32xi32, #tpu.memory_space<vmem>>, vector<256x32xi32>
    tpu.vector_store %arg3[%swap3A_934, %swap3A_935], %add3A_933 {strides = array<i32>} : memref<256x32xi32, #tpu.memory_space<vmem>>, vector<256x32xi32>,
    %ge3A = vector.broadcast %broadcast_in_dim3A_916 : vector<256x1xf32> to vector<256x40xf32>
    %ge3A_937 = arith.cmpf oge, %reduce_max3A_117, %ge3A : vector<256x40xf32>
    %reduce_or3A = arith.constant 1.000000e+00 : f32
    %reduce_or3A_938 = arith.constant 0.000000e+00 : f32
    %reduce_or3A_939 = vector.broadcast %reduce_or3A : f32 to vector<256x40xf32>
    %reduce_or3A_940 = vector.broadcast %reduce_or3A_938 : f32 to vector<256x40xf32>
    %reduce_or3A_941 = arith.select %ge3A_937, %reduce_or3A_939, %reduce_or3A_940 : vector<256x40xi1>, vector<256x40xf32>
    %reduce_or3A_942 = vector.shape_cast %reduce_or3A_941 : vector<256x40xf32> to vector<1x256x40xf32>
    %reduce_or3A_943 = arith.constant dense<0xFF800000> : vector<1xf32>
    %reduce_or3A_944 = vector.multi_reduction <maximumf>, %reduce_or3A_942, %reduce_or3A_943 [1, 2] : vector<1x256x40xf32> to vector<1xf32>
    %reduce_or3A_945 = vector.shape_cast %reduce_or3A_944 : vector<1xf32> to vector<1x1x1xf32>
    %reduce_or3A_946 = vector.extract %reduce_or3A_945[0, 0, 0] : f32 from vector<1x1x1xf32>
    %reduce_or3A_947 = arith.constant 0.000000e+00 : f32
    %reduce_or3A_948 = arith.cmpf ogt, %reduce_or3A_946, %reduce_or3A_947 : f32
    %convert_element_type3A = arith.extui %reduce_or3A_948 : i1 to i32
    %cond3A = arith.constant 0 : i32
    %cond3A_949 = arith.cmpi ne, %convert_element_type3A, %cond3A : i32
    scf.if %cond3A_949 {
      %get3A_950 = arith.constant 0 : index
      %get3A_951 = arith.constant 0 : index
      %get3A_952 = arith.constant 0 : index
      %get3A_953 = vector.load %arg1[%get3A_950, %get3A_951, %get3A_952] : memref<256x40x128xf32, #tpu.memory_space<vmem>>, vector<256x40x128xf32>
      %swap3A_954 = arith.constant 0 : index
      %swap3A_955 = arith.constant 0 : index
      %swap3A_956 = arith.constant 0 : index
      %swap3A_957 = vector.load %arg4[%swap3A_954, %swap3A_955, %swap3A_956] : memref<256x40x128xf32, #tpu.memory_space<vmem>>, vector<256x40x128xf32>
      tpu.vector_store %arg4[%swap3A_954, %swap3A_955, %swap3A_956], %get3A_953 {strides = array<i32>} : memref<256x40x128xf32, #tpu.memory_space<vmem>>, vector<256x40x128xf32>,
      %broadcast_in_dim3A_958 = arith.constant 0 : i32
      %broadcast_in_dim3A_959 = vector.broadcast %broadcast_in_dim3A_958 : i32 to vector<256x32xi32>
      %swap3A_960 = arith.constant 0 : index
      %swap3A_961 = arith.constant 0 : index
      %swap3A_962 = vector.load %arg3[%swap3A_960, %swap3A_961] : memref<256x32xi32, #tpu.memory_space<vmem>>, vector<256x32xi32>
      tpu.vector_store %arg3[%swap3A_960, %swap3A_961], %broadcast_in_dim3A_959 {strides = array<i32>} : memref<256x32xi32, #tpu.memory_space<vmem>>, vector<256x32xi32>,
      %scan3A = arith.constant 0 : i32
      %scan3A_963 = arith.constant 32 : i32
      %scan3A_964 = arith.addi %scan3A, %scan3A_963 : i32
      %scan3A_965 = arith.constant 1 : i32
      scf.for %scan3A_967 = %scan3A to %scan3A_964 step %scan3A_965  : i32 {
        %get3A_968 = arith.constant 0 : index
        %get3A_969 = arith.constant 0 : index
        %get3A_970 = arith.constant 0 : index
        %get3A_971 = vector.load %arg4[%get3A_968, %get3A_969, %get3A_970] : memref<256x40x128xf32, #tpu.memory_space<vmem>>, vector<256x40x128xf32>
        %reduce_max3A_972 = arith.constant dense<0xFF800000> : vector<256x40xf32>
        %reduce_max3A_973 = vector.multi_reduction <maximumf>, %get3A_971, %reduce_max3A_972 [2] : vector<256x40x128xf32> to vector<256x40xf32>
        %reduce_max3A_974 = arith.constant dense<0xFF800000> : vector<256xf32>
        %reduce_max3A_975 = vector.multi_reduction <maximumf>, %reduce_max3A_973, %reduce_max3A_974 [1] : vector<256x40xf32> to vector<256xf32>
        %broadcast_in_dim3A_976 = vector.shape_cast %reduce_max3A_975 : vector<256xf32> to vector<256x1x1xf32>
        %eq3A_977 = vector.broadcast %broadcast_in_dim3A_976 : vector<256x1x1xf32> to vector<256x40x128xf32>
        %eq3A_978 = arith.cmpf oeq, %get3A_971, %eq3A_977 : vector<256x40x128xf32>
        %jit3A_979 = arith.constant 2147483647 : i32
        %broadcast_in_dim3A_980 = vector.broadcast %jit3A_979 : i32 to vector<256x40x128xi32>
        %select_n3A_981 = arith.select %eq3A_978, %add3A_12, %broadcast_in_dim3A_980 : vector<256x40x128xi1>, vector<256x40x128xi32>
        %reduce_min3A_982 = arith.constant dense<2147483647> : vector<256x40xi32>
        %reduce_min3A_983 = vector.multi_reduction <minsi>, %select_n3A_981, %reduce_min3A_982 [2] : vector<256x40x128xi32> to vector<256x40xi32>
        %reduce_min3A_984 = arith.constant dense<2147483647> : vector<256xi32>
        %reduce_min3A_985 = vector.multi_reduction <minsi>, %reduce_min3A_983, %reduce_min3A_984 [1] : vector<256x40xi32> to vector<256xi32>
        %broadcast_in_dim3A_986 = vector.shape_cast %reduce_min3A_985 : vector<256xi32> to vector<256x1xi32>
        %broadcast_in_dim3A_987 = vector.shape_cast %broadcast_in_dim3A_986 : vector<256x1xi32> to vector<256x1x1xi32>
        %eq3A_988 = vector.broadcast %broadcast_in_dim3A_987 : vector<256x1x1xi32> to vector<256x40x128xi32>
        %eq3A_989 = arith.cmpi eq, %add3A_12, %eq3A_988 : vector<256x40x128xi32>
        %jit3A_990 = arith.constant -3.000000e+38 : f32
        %broadcast_in_dim3A_991 = vector.broadcast %jit3A_990 : f32 to vector<256x40x128xf32>
        %select_n3A_992 = arith.select %eq3A_989, %broadcast_in_dim3A_991, %get3A_971 : vector<256x40x128xi1>, vector<256x40x128xf32>
        %swap3A_993 = arith.constant 0 : index
        %swap3A_994 = arith.constant 0 : index
        %swap3A_995 = arith.constant 0 : index
        %swap3A_996 = vector.load %arg4[%swap3A_993, %swap3A_994, %swap3A_995] : memref<256x40x128xf32, #tpu.memory_space<vmem>>, vector<256x40x128xf32>
        tpu.vector_store %arg4[%swap3A_993, %swap3A_994, %swap3A_995], %select_n3A_992 {strides = array<i32>} : memref<256x40x128xf32, #tpu.memory_space<vmem>>, vector<256x40x128xf32>,
        %get3A_997 = arith.constant 0 : index
        %get3A_998 = arith.constant 0 : index
        %get3A_999 = vector.load %arg3[%get3A_997, %get3A_998] : memref<256x32xi32, #tpu.memory_space<vmem>>, vector<256x32xi32>
        %eq3A_1000 = vector.broadcast %scan3A_967 : i32 to vector<256x32xi32>
        %eq3A_1001 = arith.cmpi eq, %iota3A_13, %eq3A_1000 : vector<256x32xi32>
        %jit3A_1002 = arith.constant 0 : i32
        %broadcast_in_dim3A_1003 = vector.shape_cast %broadcast_in_dim3A_986 : vector<256x1xi32> to vector<256x1xi32>
        %broadcast_in_dim3A_1004 = vector.broadcast %broadcast_in_dim3A_1003 : vector<256x1xi32> to vector<256x32xi32>
        %broadcast_in_dim3A_1005 = vector.broadcast %jit3A_1002 : i32 to vector<256x32xi32>
        %select_n3A_1006 = arith.select %eq3A_1001, %broadcast_in_dim3A_1004, %broadcast_in_dim3A_1005 : vector<256x32xi1>, vector<256x32xi32>
        %add3A_1007 = arith.addi %get3A_999, %select_n3A_1006 : vector<256x32xi32>
        %swap3A_1008 = arith.constant 0 : index
        %swap3A_1009 = arith.constant 0 : index
        %swap3A_1010 = vector.load %arg3[%swap3A_1008, %swap3A_1009] : memref<256x32xi32, #tpu.memory_space<vmem>>, vector<256x32xi32>
        tpu.vector_store %arg3[%swap3A_1008, %swap3A_1009], %add3A_1007 {strides = array<i32>} : memref<256x32xi32, #tpu.memory_space<vmem>>, vector<256x32xi32>,
      }
      %scan3A_966 = arith.constant 32 : i32
    } else {
    }
    return
  }
  func.func @transform_0(%arg0: i32) -> (i32, i32, i32) {
    %c0_i32 = arith.constant 0 : i32
    %c0_i32_0 = arith.constant 0 : i32
    %c0_i32_1 = arith.constant 0 : i32
    return %arg0, %c0_i32, %c0_i32_0 : i32, i32, i32
  }
  func.func @transform_1(%arg0: i32) -> (i32, i32) {
    %c0_i32 = arith.constant 0 : i32
    %c0_i32_0 = arith.constant 0 : i32
    return %arg0, %c0_i32 : i32, i32
  }
  func.func @transform_2(%arg0: i32) -> (i32, i32) {
    %c0_i32 = arith.constant 0 : i32
    %c0_i32_0 = arith.constant 0 : i32
    return %arg0, %c0_i32 : i32, i32
  }
}

module attributes {stable_mosaic.version = 14 : i64} {
  func.func @_winner_kernel(%arg0: memref<1024x1xi32, #tpu.memory_space<vmem>>, %arg1: memref<1x1024xi32, #tpu.memory_space<vmem>>, %arg2: memref<1024x1xi32, #tpu.memory_space<vmem>>) attributes {dimension_semantics = [], scalar_prefetch = 0 : i64, scratch_operands = 0 : i64, tpu.core_type = #tpu.core_type<tc>} {
    %get3A = arith.constant 0 : index
    %get3A_0 = arith.constant 0 : index
    %get3A_1 = vector.load %arg0[%get3A, %get3A_0] : memref<1024x1xi32, #tpu.memory_space<vmem>>, vector<1024x1xi32>
    %get3A_2 = arith.constant 0 : index
    %get3A_3 = arith.constant 0 : index
    %get3A_4 = vector.load %arg1[%get3A_2, %get3A_3] : memref<1x1024xi32, #tpu.memory_space<vmem>>, vector<1x1024xi32>
    %eq3A = vector.broadcast %get3A_1 : vector<1024x1xi32> to vector<1024x1024xi32>
    %eq3A_5 = vector.broadcast %get3A_4 : vector<1x1024xi32> to vector<1024x1024xi32>
    %eq3A_6 = arith.cmpi eq, %eq3A, %eq3A_5 : vector<1024x1024xi32>
    %iota3A = tpu.iota {dimensions = array<i32: 1>} : vector<1024x1024xi32>
    %jit3A = arith.constant -1 : i32
    %broadcast_in_dim3A = vector.broadcast %jit3A : i32 to vector<1024x1024xi32>
    %select_n3A = arith.select %eq3A_6, %iota3A, %broadcast_in_dim3A : vector<1024x1024xi1>, vector<1024x1024xi32>
    %reduce_max3A = arith.constant dense<-2147483648> : vector<1024xi32>
    %reduce_max3A_7 = vector.multi_reduction <maxsi>, %select_n3A, %reduce_max3A [1] : vector<1024x1024xi32> to vector<1024xi32>
    %broadcast_in_dim3A_8 = vector.shape_cast %reduce_max3A_7 : vector<1024xi32> to vector<1024x1xi32>
    %swap3A = arith.constant 0 : index
    %swap3A_9 = arith.constant 0 : index
    %swap3A_10 = vector.load %arg2[%swap3A, %swap3A_9] : memref<1024x1xi32, #tpu.memory_space<vmem>>, vector<1024x1xi32>
    tpu.vector_store %arg2[%swap3A, %swap3A_9], %broadcast_in_dim3A_8 {strides = array<i32>} : memref<1024x1xi32, #tpu.memory_space<vmem>>, vector<1024x1xi32>,
    return
  }
}

module attributes {stable_mosaic.version = 14 : i64} {
  func.func @_integrate_kernel(%arg0: i32, %arg1: memref<128x32x256xf32, #tpu.memory_space<vmem>>, %arg2: memref<128x256xf32, #tpu.memory_space<vmem>>, %arg3: memref<512x256xf32, #tpu.memory_space<vmem>>, %arg4: memref<1x256xf32, #tpu.memory_space<vmem>>, %arg5: memref<128x256xf32, #tpu.memory_space<vmem>>, %arg6: memref<128x1xi32, #tpu.memory_space<vmem>>) attributes {dimension_semantics = [#tpu.dimension_semantics<arbitrary>], iteration_bounds = array<i64: 8>, scalar_prefetch = 0 : i64, scratch_operands = 0 : i64, tpu.core_type = #tpu.core_type<tc>, window_params = [{transform_indices = @transform_0, window_bounds = array<i64: 128, 32, 256>}, {transform_indices = @transform_1, window_bounds = array<i64: 128, 256>}, {pipeline_mode = #tpu.pipeline_mode<synchronous>, transform_indices = @transform_2, window_bounds = array<i64: 512, 256>}, {pipeline_mode = #tpu.pipeline_mode<synchronous>, transform_indices = @transform_3, window_bounds = array<i64: 1, 256>}, {transform_indices = @transform_4, window_bounds = array<i64: 128, 256>}, {transform_indices = @transform_5, window_bounds = array<i64: 128, 1>}]} {
    %get3A = arith.constant 0 : index
    %get3A_0 = arith.constant 0 : index
    %get3A_1 = arith.constant 0 : index
    %get3A_2 = vector.load %arg1[%get3A, %get3A_0, %get3A_1] : memref<128x32x256xf32, #tpu.memory_space<vmem>>, vector<128x32x256xf32>
    %reduce_sum3A = arith.constant dense<0.000000e+00> : vector<128x256xf32>
    %reduce_sum3A_3 = vector.multi_reduction <add>, %get3A_2, %reduce_sum3A [1] : vector<128x32x256xf32> to vector<128x256xf32>
    %mul3A = arith.constant 3.125000e-02 : f32
    %mul3A_4 = vector.broadcast %mul3A : f32 to vector<128x256xf32>
    %mul3A_5 = arith.mulf %reduce_sum3A_3, %mul3A_4 : vector<128x256xf32>
    %get3A_6 = arith.constant 0 : index
    %get3A_7 = arith.constant 0 : index
    %get3A_8 = vector.load %arg2[%get3A_6, %get3A_7] : memref<128x256xf32, #tpu.memory_space<vmem>>, vector<128x256xf32>
    %concatenate3A = tpu.concatenate %get3A_8, %mul3A_5 in 1 : vector<128x256xf32>, vector<128x256xf32> -> vector<128x512xf32>
    %get3A_9 = arith.constant 0 : index
    %get3A_10 = arith.constant 0 : index
    %get3A_11 = vector.load %arg3[%get3A_9, %get3A_10] : memref<512x256xf32, #tpu.memory_space<vmem>>, vector<512x256xf32>
    %dot_general3A = arith.constant dense<0.000000e+00> : vector<128x256xf32>
    %dot_general3A_12 = tpu.matmul %concatenate3A, %get3A_11, %dot_general3A {dimension_numbers = #tpu.dot_dimension_numbers<[1], [0], [0], [1], [0, 0, 1, 1], [], []>, transpose_lhs_hint = false} : vector<128x512xf32>, vector<512x256xf32>, vector<128x256xf32> -> vector<128x256xf32>
    %get3A_13 = arith.constant 0 : index
    %get3A_14 = arith.constant 0 : index
    %get3A_15 = vector.load %arg4[%get3A_13, %get3A_14] : memref<1x256xf32, #tpu.memory_space<vmem>>, vector<1x256xf32>
    %add3A = vector.broadcast %get3A_15 : vector<1x256xf32> to vector<128x256xf32>
    %add3A_16 = arith.addf %dot_general3A_12, %add3A : vector<128x256xf32>
    %swap3A = arith.constant 0 : index
    %swap3A_17 = arith.constant 0 : index
    %swap3A_18 = vector.load %arg5[%swap3A, %swap3A_17] : memref<128x256xf32, #tpu.memory_space<vmem>>, vector<128x256xf32>
    tpu.vector_store %arg5[%swap3A, %swap3A_17], %add3A_16 {strides = array<i32>} : memref<128x256xf32, #tpu.memory_space<vmem>>, vector<128x256xf32>,
    %gt3A = arith.constant 5.000000e-01 : f32
    %gt3A_19 = vector.broadcast %gt3A : f32 to vector<128x256xf32>
    %gt3A_20 = arith.cmpf ogt, %add3A_16, %gt3A_19 : vector<128x256xf32>
    %convert_element_type3A = arith.extui %gt3A_20 : vector<128x256xi1> to vector<128x256xi32>
    %reduce_sum3A_21 = arith.constant dense<0> : vector<128xi32>
    %reduce_sum3A_22 = vector.multi_reduction <add>, %convert_element_type3A, %reduce_sum3A_21 [1] : vector<128x256xi32> to vector<128xi32>
    %broadcast_in_dim3A = vector.shape_cast %reduce_sum3A_22 : vector<128xi32> to vector<128x1xi32>
    %swap3A_23 = arith.constant 0 : index
    %swap3A_24 = arith.constant 0 : index
    %swap3A_25 = vector.load %arg6[%swap3A_23, %swap3A_24] : memref<128x1xi32, #tpu.memory_space<vmem>>, vector<128x1xi32>
    tpu.vector_store %arg6[%swap3A_23, %swap3A_24], %broadcast_in_dim3A {strides = array<i32>} : memref<128x1xi32, #tpu.memory_space<vmem>>, vector<128x1xi32>,
    return
  }
  func.func @transform_0(%arg0: i32) -> (i32, i32, i32) {
    %c0_i32 = arith.constant 0 : i32
    %c0_i32_0 = arith.constant 0 : i32
    %c0_i32_1 = arith.constant 0 : i32
    return %arg0, %c0_i32, %c0_i32_0 : i32, i32, i32
  }
  func.func @transform_1(%arg0: i32) -> (i32, i32) {
    %c0_i32 = arith.constant 0 : i32
    %c0_i32_0 = arith.constant 0 : i32
    return %arg0, %c0_i32 : i32, i32
  }
  func.func @transform_2(%arg0: i32) -> (i32, i32) {
    %c0_i32 = arith.constant 0 : i32
    %c0_i32_0 = arith.constant 0 : i32
    %c0_i32_1 = arith.constant 0 : i32
    return %c0_i32, %c0_i32_0 : i32, i32
  }
  func.func @transform_3(%arg0: i32) -> (i32, i32) {
    %c0_i32 = arith.constant 0 : i32
    %c0_i32_0 = arith.constant 0 : i32
    %c0_i32_1 = arith.constant 0 : i32
    return %c0_i32, %c0_i32_0 : i32, i32
  }
  func.func @transform_4(%arg0: i32) -> (i32, i32) {
    %c0_i32 = arith.constant 0 : i32
    %c0_i32_0 = arith.constant 0 : i32
    return %arg0, %c0_i32 : i32, i32
  }
  func.func @transform_5(%arg0: i32) -> (i32, i32) {
    %c0_i32 = arith.constant 0 : i32
    %c0_i32_0 = arith.constant 0 : i32
    return %arg0, %c0_i32 : i32, i32
  }
}

module attributes {stable_mosaic.version = 14 : i64} {
  func.func @_scatter_kernel(%arg0: memref<65536x256xf32, #tpu.memory_space<hbm>>, %arg1: memref<1024x256xf32, #tpu.memory_space<vmem>>, %arg2: memref<1024xi32, #tpu.memory_space<smem>>, %arg3: memref<1024xi32, #tpu.memory_space<smem>>, %arg4: memref<65536x256xf32, #tpu.memory_space<hbm>>, %arg5: memref<!tpu.dma_semaphore, #tpu.memory_space<semaphore_mem>>) attributes {dimension_semantics = [], scalar_prefetch = 0 : i64, scratch_operands = 1 : i64, tpu.core_type = #tpu.core_type<tc>} {
    %scan3A = arith.constant 0 : i32
    %scan3A_0 = arith.constant 1024 : i32
    %scan3A_1 = arith.addi %scan3A, %scan3A_0 : i32
    %scan3A_2 = arith.constant 1 : i32
    scf.for %scan3A_8 = %scan3A to %scan3A_1 step %scan3A_2  : i32 {
      %get3A = arith.index_cast %scan3A_8 : i32 to index
      %get3A_9 = memref.load %arg3[%get3A] : memref<1024xi32, #tpu.memory_space<smem>>
      %get3A_10 = arith.index_cast %scan3A_8 : i32 to index
      %get3A_11 = memref.load %arg2[%get3A_10] : memref<1024xi32, #tpu.memory_space<smem>>
      %dma_start3A = arith.constant 0 : i32
      %dma_start3A_12 = tpu.memref_slice %arg4[%get3A_11, %dma_start3A] : memref<65536x256xf32, #tpu.memory_space<hbm>> -> memref<1x256xf32, #tpu.memory_space<hbm>>
      %dma_start3A_13 = arith.constant 0 : i32
      %dma_start3A_14 = tpu.memref_slice %arg1[%get3A_9, %dma_start3A_13] : memref<1024x256xf32, #tpu.memory_space<vmem>> -> memref<1x256xf32, #tpu.memory_space<vmem>>
      tpu.enqueue_dma source(%dma_start3A_14 : memref<1x256xf32, #tpu.memory_space<vmem>>) target(%dma_start3A_12 : memref<1x256xf32, #tpu.memory_space<hbm>>) target_semaphore(%arg5 : memref<!tpu.dma_semaphore, #tpu.memory_space<semaphore_mem>>)
    }
    %scan3A_3 = arith.constant 1024 : i32
    %scan3A_4 = arith.constant 0 : i32
    %scan3A_5 = arith.constant 1024 : i32
    %scan3A_6 = arith.addi %scan3A_4, %scan3A_5 : i32
    %scan3A_7 = arith.constant 1 : i32
    scf.for %scan3A_8 = %scan3A_4 to %scan3A_6 step %scan3A_7  : i32 {
      %dma_wait3A = arith.constant 0 : i32
      %dma_wait3A_9 = arith.constant 0 : i32
      %dma_wait3A_10 = tpu.memref_slice %arg4[%dma_wait3A, %dma_wait3A_9] : memref<65536x256xf32, #tpu.memory_space<hbm>> -> memref<1x256xf32, #tpu.memory_space<hbm>>
      %dma_wait3A_11 = arith.constant 0 : i32
      %dma_wait3A_12 = arith.constant 0 : i32
      %dma_wait3A_13 = tpu.memref_slice %arg1[%dma_wait3A_11, %dma_wait3A_12] : memref<1024x256xf32, #tpu.memory_space<vmem>> -> memref<1x256xf32, #tpu.memory_space<vmem>>
      tpu.wait_dma2 semaphore(%arg5 : memref<!tpu.dma_semaphore, #tpu.memory_space<semaphore_mem>>) src(%dma_wait3A_13 : memref<1x256xf32, #tpu.memory_space<vmem>>) dst(%dma_wait3A_10 : memref<1x256xf32, #tpu.memory_space<hbm>>)
    }
    return
  }
}

</mosaic_0001>

<sc_bundles>
// kernel: kernel.11.cloned.1.call-start
scs
__scs_entry_jumppad:
0x0: {  	(pc) =	sbr.rel $0x88, $3  }
0x1: {  	(tag) =	ssettag $0x0;
	lr =	simm.s32 $0x1  }
0x2: {  	[smem:$0x3F95] =	sst lr;
	_ =	strace $0xD0000000  }
0x3: {  	_ = 	snop  }
0x4: {  	_ = 	snop  }
0x5: {  	_ = 	snop  }
0x6: {  	_ = 	snop  }
0x7: {  	_ = 	snop  }
__scs_overlays_trampoline_lowered:
0x8: {  	[smem:$0x3FA4] =	sst s0  }
0x9: {  	[smem:$0x3FA5] =	sst s1  }
0xa: {  	[smem:$0x3FA6] =	sst s2  }
0xb: {  	[smem:$0x3FA7] =	sst s3  }
0xc: {  	[smem:$0x3FA8] =	sst s4  }
0xd: {  	[smem:$0x3FA9] =	sst s5  }
0xe: {  	[smem:$0x3FAA] =	sst s6  }
0xf: {  	[smem:$0x3FAB] =	sst s7  }
0x10: {  	[smem:$0x3FAC] =	sst s8  }
0x11: {  	[smem:$0x3FAD] =	sst s9;
	s0 =	simm.s32 @!p0 $0x0  }
0x12: {  	s1 =	sld [smem:$0x3F93];
	s0 =	simm.s32 @p0 $0x1  }
0x13: {  	[smem:$0x3FAE] =	sst s0;
	s0 =	simm.s32 @!p1 $0x0  }
0x14: {  	s2 =	sld [smem:$0x3F92];
	s0 =	simm.s32 @p1 $0x1  }
0x15: {  	[smem:$0x3FAF] =	sst s0;
	s0 =	simm.s32 @!p2 $0x0  }
0x16: {  	s3 =	sld [smem:$0x3FDB];
	s0 =	simm.s32 @p2 $0x1  }
0x17: {  	s4 =	simm.s32 $0x1BF5;
	[smem:$0x3FB1] =	sst s0  }
0x18: {  	s0 =	sld [smem:$0x3F94];
	_ =	swait.ge [sflag:s4], $0x0  }
0x19: {  	s7 =	sld [smem:$0x3F95]  }
0x1a: {  	s8 =	sadd.s32 $0xFFFFE003, lr  }
0x1b: {  	s9 =	sadd.s32 $0xFFFFFEF7, lr;
	s5 =	simm.s32 $0xFFFFFFFF;
	p2 =	slt.u32 s8, $0xFFFFF086  }
0x1c: {  	p1 =	slt.u32 s9, $0xF7A;
	s5 =	simm.s32 @!p2 $0x0  }
0x1d: {  	s5 =	simm.s32 @p1 $0x1;
	p0 =	seq.s32 s7, s2  }
0x1e: {  	s7 =	smul.u32 @!p0 $0xF7A, s2;
	p2 =	seq.s32 @!p0 s5, $0x0  }
0x1f: {  	s9 =	smul.u32 $0xF7A, s1;
	s8 =	simm.s32 @!p0 $0x1BF5;
	p2 =	por !p2, p0  }
0x20: {  	[sflag:s8] =	ssyncset.s32 @!p0 $0xFFFFF086;
	s6 =	sadd.s32 @!p0 s3, s7;
	s7 =	simm.s32 @!p0 $0x108  }
0x21: {  	s3 =	sadd.s32 s3, s9;
	s6 =	sadd.s32 @!p0 $0x88, s6;
	s7 =	simm.s32 @p2 $0x1082  }
0x22: {  	[simem:s7], [sflag:s8] =	dma.local @!p0 [hbm:s6], $0xF7A  }
0x23: {  	s9 =	sor.u32 $0xD0000000, s2;
	s6 =	simm.s32 $0x108;
	_ =	swait.ge @!p0 [sflag:s8], $0x0  }
0x24: {  	s3 =	sadd.s32 $0x88, s3;
	s6 =	simm.s32 @!p1 $0x1082;
	[sflag:s4] =	ssyncset.s32 $0xFFFFF086  }
0x25: {  	[simem:s6], [sflag:s4] =	dma.local [hbm:s3], $0xF7A  }
0x26: {  	[smem:$0x3F95] =	sst s1;
	(tag) =	ssettag s2;
	_ =	strace s9  }
0x27: {  	s1 =	sld [smem:$0x3FA5]  }
0x28: {  	s2 =	sld [smem:$0x3FA6]  }
0x29: {  	s4 =	sld [smem:$0x3FA8]  }
0x2a: {  	p0 =	seq.s32 s5, $0x0;
	s5 =	sld [smem:$0x3FA9]  }
0x2b: {  	s6 =	sld [smem:$0x3FAA]  }
0x2c: {  	s7 =	sld [smem:$0x3FAB]  }
0x2d: {  	s3 =	simm.s32 $0x108;
	s8 =	sld [smem:$0x3FAC]  }
0x2e: {  	s3 =	simm.s32 @!p0 $0x1082;
	s9 =	sld [smem:$0x3FAD]  }
0x2f: {  	lr =	sadd.s32 s0, s3;
	s0 =	sld [smem:$0x3FA4]  }
0x30: {  	s3 =	sld [smem:$0x3FA7]  }
0x31: {  	[smem:$0x3FB0] =	sst s10  }
0x32: {  	s10 =	sld [smem:$0x3FAE];
	_ =	sdelay $0x3  }
0x33: {  	p0 =	seq.s32 s10, $0x1;
	s10 =	sld [smem:$0x3FB0];
	_ =	sdelay $0x3  }
0x34: {  	[smem:$0x3FB0] =	sst s10  }
0x35: {  	s10 =	sld [smem:$0x3FAF];
	_ =	sdelay $0x3  }
0x36: {  	p1 =	seq.s32 s10, $0x1;
	s10 =	sld [smem:$0x3FB0];
	_ =	sdelay $0x3  }
0x37: {  	[smem:$0x3FB0] =	sst s10  }
0x38: {  	s10 =	sld [smem:$0x3FB1]  }
0x39: {  	_ = 	snop;
	(pc) =	sbr.ind lr, $3  }
0x3a: {  	_ = 	snop  }
0x3b: {  	_ = 	snop  }
0x3c: {  	p2 =	seq.s32 s10, $0x1;
	s10 =	sld [smem:$0x3FB0]  }
0x3d: {  	_ =	shalt  }
0x3e: {  	_ =	shalt  }
0x3f: {  	_ =	shalt  }
0x40: {  	_ =	shalt  }
0x41: {  	_ =	shalt  }
0x42: {  	_ =	shalt  }
0x43: {  	_ =	shalt  }
0x44: {  	_ =	shalt  }
0x45: {  	_ =	shalt  }
0x46: {  	_ =	shalt  }
0x47: {  	_ =	shalt  }
0x48: {  	_ =	shalt  }
0x49: {  	_ =	shalt  }
0x4a: {  	_ =	shalt  }
0x4b: {  	_ =	shalt  }
0x4c: {  	_ =	shalt  }
0x4d: {  	_ =	shalt  }
0x4e: {  	_ =	shalt  }
0x4f: {  	_ =	shalt  }
0x50: {  	_ =	shalt  }
0x51: {  	_ =	shalt  }
0x52: {  	_ =	shalt  }
0x53: {  	_ =	shalt  }
0x54: {  	_ =	shalt  }
0x55: {  	_ =	shalt  }
0x56: {  	_ =	shalt  }
0x57: {  	_ =	shalt  }
0x58: {  	_ =	shalt  }
0x59: {  	_ =	shalt  }
0x5a: {  	_ =	shalt  }
0x5b: {  	_ =	shalt  }
0x5c: {  	_ =	shalt  }
0x5d: {  	_ =	shalt  }
0x5e: {  	_ =	shalt  }
0x5f: {  	_ =	shalt  }
0x60: {  	_ =	shalt  }
0x61: {  	_ =	shalt  }
0x62: {  	_ =	shalt  }
0x63: {  	_ =	shalt  }
0x64: {  	_ =	shalt  }
0x65: {  	_ =	shalt  }
0x66: {  	_ =	shalt  }
0x67: {  	_ =	shalt  }
0x68: {  	_ =	shalt  }
0x69: {  	_ =	shalt  }
0x6a: {  	_ =	shalt  }
0x6b: {  	_ =	shalt  }
0x6c: {  	_ =	shalt  }
0x6d: {  	_ =	shalt  }
0x6e: {  	_ =	shalt  }
0x6f: {  	_ =	shalt  }
0x70: {  	_ =	shalt  }
0x71: {  	_ =	shalt  }
0x72: {  	_ =	shalt  }
0x73: {  	_ =	shalt  }
0x74: {  	_ =	shalt  }
0x75: {  	_ =	shalt  }
0x76: {  	_ =	shalt  }
0x77: {  	_ =	shalt  }
0x78: {  	_ =	shalt  }
0x79: {  	_ =	shalt  }
0x7a: {  	_ =	shalt  }
0x7b: {  	_ =	shalt  }
0x7c: {  	_ =	shalt  }
0x7d: {  	_ =	shalt  }
0x7e: {  	_ =	shalt  }
0x7f: {  	_ =	shalt  }
0x80: {  	_ =	shalt  }
0x81: {  	_ =	shalt  }
0x82: {  	_ =	shalt  }
0x83: {  	_ =	shalt  }
0x84: {  	_ =	shalt  }
0x85: {  	_ =	shalt  }
0x86: {  	_ =	shalt  }
0x87: {  	_ =	shalt  }
.Lfunc_end0:
.L_simem_size_0:
called_computation_lowered:
.L_overlay_start_0:
0x88: {  	s2 =	sld [smem:$0x3FD9]  }
0x89: {  	s3 =	sld [smem:$0x3FFE];
	_ =	sdelay $0x1  }
0x8a: {  	s1 =	srdreg.scid  }
0x8b: {  	s0 =	sand.u32 $0x1, s1  }
0x8c: {  	s14 =	sshll.u32 s0, $0xA;
	s2 =	sadd.s32 s3, s2  }
0x8d: {  	s2 =	sadd.s32 s2, s14  }
0x8e: {  	[smem:$0x3FBC] =	sst s2  }
0x8f: {  	_ = 	snop  }
0x90: {  	s2 =	sld [smem:$0x3FD0];
	_ =	sdelay $0x2  }
0x91: {  	s15 =	simm.s32 $0xA;
	s4 =	simm.s32 $0x10  }
0x92: {  	[smem:s4], [sflag:s15] =	dma.local [hbm:s2], $0x1  }
0x93: {  	_ =	swait.eq [sflag:s15], $0x1  }
0x94: {  	[sflag:s15] =	ssyncset.done $0x0  }
0x95: {  	[sflag:s15] =	ssyncadd.s32 $0xFFFFFFFF  }
0x96: {  	s16 =	sld [smem:$0x12];
	(tm) =	ssettm $0x1  }
0x97: {  	s17 =	sld [smem:$0x3FFB];
	_ =	sdelay $0x3  }
0x98: {  	_ =	strace s17  }
0x99: {  	s3 =	sld [smem:$0x3FFC];
	_ =	sdelay $0x3  }
0x9a: {  	_ =	strace s3  }
0x9b: {  	s3 =	sld [smem:$0x3FFD];
	_ =	sdelay $0x3  }
0x9c: {  	_ =	strace s3  }
0x9d: {  	_ =	strace $0x8FFFFFFF  }
0x9e: {  	s18 =	sld [smem:$0x3FDB];
	_ =	sdelay $0x1  }
0x9f: {  	s19 =	simm.s32 $_scs_section_size  }
0xa0: {  	s5 =	simm.s32 $_size__tile_overlayer_lowered;
	s6 =	simm.s32 $_tile_overlayer_lowered  }
0xa1: {  	s22 =	simm.s32 $0x1BFF;
	s21 =	sshll.u32 s6, $0x1;
	s3 =	sadd.s32 s19, s18  }
0xa2: {  	s7 =	simm.s32 $0x0;
	s20 =	sshll.u32 s5, $0x1;
	s5 =	sadd.s32 s21, s3  }
0xa3: {  	[timem:s7], [sflag:s22] =	dma.local [hbm:s5], s20  }
0xa4: {  	_ =	swait.ge [sflag:s22], s20  }
0xa5: {  	s4 =	ssub.s32 $0x0, s20;
	[sflag:s22] =	ssyncset.done $0x0  }
0xa6: {  	[sflag:s22] =	ssyncadd.s32 s4;
	_ =	sdelay $0x1  }
0xa7: {  	s23 =	simm.s32 $0x1B8B  }
0xa8: {  	_ =	swait.ge [sflag:s23], $0x1  }
0xa9: {  	[sflag:s23] =	ssyncset.done $0x0  }
0xaa: {  	s25 =	simm.s32 $0x1B8E;
	s24 =	sld [smem:$0x3FFE];
	[sflag:s23] =	ssyncadd.s32 $0xFFFFFFFF  }
0xab: {  	s26 =	simm.s32 $execute0_lowered;
	[smem:$0x3FD2] =	sst s25  }
0xac: {  	s5 =	sshll.u32 s26, $0x1;
	_ =	strace $0x80000046;
	[dreg:$0x1] =	wrdreg $0xFFFFFFFF  }
0xad: {  	s28 =	simm.s32 $_size_execute0_lowered;
	s3 =	sadd.s32 s3, s5;
	[dreg:$0x0] =	wrdreg $0x0  }
0xae: {  	s5 =	sshll.u32 s28, $0x1;
	[dreg:$0x2] =	wrdreg s3  }
0xaf: {  	[dreg:$0x3] =	wrdreg s5  }
0xb0: {  	[dreg:$0x4] =	wrdreg $0xC0  }
0xb1: {  	_ =	task [dreg:s7], $0x5FFFF  }
0xb2: {  	[dreg:$0x1] =	wrdreg $0xFFFFFFFF  }
0xb3: {  	[dreg:$0x0] =	wrdreg $0x60  }
0xb4: {  	[dreg:$0x2] =	wrdreg s24  }
0xb5: {  	[dreg:$0x3] =	wrdreg s16  }
0xb6: {  	[dreg:$0x4] =	wrdreg $0x9  }
0xb7: {  	_ =	task.clear_ibuf [dreg:s7], $0x5FFFF;
	_ =	strace $0x90000046  }
0xb8: {  	s29 =	simm.s32 $0x9;
	_ =	strace $0x80000048  }
0xb9: {  	_ =	swait.ge [sflag:s29], $0x1  }
0xba: {  	[sflag:s29] =	ssyncadd.s32 $0xFFFFFFFF  }
0xbb: {  	_ =	strace $0x90000048  }
0xbc: {  	_ =	sfence  }
0xbd: {  	s30 =	sld [smem:$0x0];
	_ =	sdelay $0x2  }
0xbe: {  	s31 =	sshll.u32 s1, $0xD;
	s1 =	sshrl.u32 s1, $0x2  }
0xbf: {  	s3 =	sand.u32 $0x4000, s31;
	s1 =	sadd.s32 s1, s30  }
0xc0: {  	s0 =	sor.u32 s3, s0;
	s1 =	sshll.u32 s1, $0x11  }
0xc1: {  	s0 =	sor.u32 s1, s0  }
0xc2: {  	s0 =	sadd.s32 $0x8F2B, s0  }
0xc3: {  	[sflag:s0] =	ssyncadd.remote.s32 $0x1  }
0xc4: {  	_ =	sfence.sel $0xFFFF  }
0xc5: {  	[dreg:$0x0] =	wrdreg $0xFFFFFFFF;
	(pc) =	sbr.abs _section_cstart, $3  }
0xc6: {  	[dreg:$0x1] =	wrdreg $0xFFFFFFFF  }
0xc7: {  	_ =	task.clear_ibuf [dreg:s7], $0x2FFFF;
	_ =	strace $0x9FFFFFFF  }
0xc8: {  	(tm) =	ssettm $0x7FFFFFFF  }
0xc9: {  	_ =	shalt  }
tec
execute0_lowered:
.L_overlay_start_1:
0x0: {  	(tag) =	ssettag $0x1  }
0x1: {  	s1 =	srdreg.scid;
	s0 =	stileid.u32  }
0x2: {  	s9 =	rddreg [dreg:$0x0];
	s10 =	sand.u32 $0x1, s1;
	s31 =	sshll.u32 s0, $0x1  }
0x3: {  	s3 =	rddreg [dreg:$0x1];
	s6 =	sor.u32 s10, s31  }
0x4: {  	s2 =	simm.s32 $0x0;
	s1 =	rddreg [dreg:$0x2];
	s4 =	smul.u32 $0xA0, s6  }
0x5: {  	[smem:$0x7FF] =	sst s2  }
0x6: {  	_ =	strace $0x80000047;
	s4 =	sadd.s32 s3, s4;
	s3 =	simm.s32 $0x2  }
0x7: {  	[tilespmem:s2], [sflag:$0x2] =	stream.linear.gather [hbm4b:s4+s2], $0x500, $0x38;
	[tilespmem:$0x14500] =	vst v63  }
0x8: {  	s7 =	simm.s32 $0x500;
	_ =	swait.ge [sflag:s3], $0x500  }
0x9: {  	s8 =	simm.s32 $0x1;
	s5 =	sadd.s32 $0x822A00, s9;
	[sflag:s3] =	ssyncset.done $0x0  }
0xa: {  	s11 =	smul.u32 $0x5000, s6;
	s6 =	simm.s32 $0x280;
	[sflag:s3] =	ssyncadd.s32 $0xFFFFFB00  }
0xb: {  	[tilespmem:s7], [sflag:$0x1] =	stream.indirect.gather [hbm4b:s5+s6], $0x80, s2, s6, $0xb8;
	[tilespmem:$0x14500] =	vst v63  }
0xc: {  	_ =	swait.ge [sflag:s8], $0x14000  }
0xd: {  	s11 =	sadd.s32 s11, s9;
	[sflag:s8] =	ssyncset.done $0x0  }
0xe: {  	s10 =	ssub.s32 $0x2, s10;
	s9 =	sadd.s32 $0x16A00, s11;
	[sflag:s8] =	ssyncadd.s32 $0xFFFEC000  }
0xf: {  	[hbm4b:s9+s2] =	stream.linear.scatter [tilespmem:s7], [sflag:$0x2], $0x14000, $0x38;
	[tilespmem:$0x14500] =	vst v63  }
0x10: {  	s12 =	sshrl.u32 s10, $0x1;
	_ =	swait.ge [sflag:s3], $0x14000  }
0x11: {  	s10 =	ssub.s32 s10, s12;
	[sflag:s3] =	ssyncset.done $0x0  }
0x12: {  	s12 =	smax.u32 s10, $0x1;
	[sflag:s3] =	ssyncadd.s32 $0xFFFEC000  }
0x13: {  	[tilespmem:s7], [sflag:$0x1] =	stream.indirect.gather [hbm4b:s5+s6], $0x80, s6, s6, $0xb8;
	[tilespmem:$0x14500] =	vst v63  }
0x14: {  	p0 =	sne.s32 s12, $0x1;
	_ =	swait.ge [sflag:s8], $0x14000  }
.Ltmp0:
0x15: {  	[sflag:s8] =	ssyncset.done $0x0;
	(pc) =	sbr.rel @!p0 .LBB2_2-.Ltmp0, $4  }
0x16: {  	s10 =	sadd.s32 $0x19200, s11;
	[sflag:s8] =	ssyncadd.s32 $0xFFFEC000  }
0x17: {  	[hbm4b:s10+s2] =	stream.linear.scatter [tilespmem:s7], [sflag:$0x2], $0x14000, $0x38;
	[tilespmem:$0x14500] =	vst v63  }
0x18: {  	_ =	swait.ge [sflag:s3], $0x14000  }
0x19: {  	s11 =	sadd.s32 $0xFFFFFFFF, s12;
	[sflag:s3] =	ssyncset.done $0x0  }
.LBB2_1:
0x1a: {  	p0 =	sne.s32 s11, $0x1;
	s11 =	sadd.s32 $0xFFFFFFFF, s11;
	[sflag:s3] =	ssyncadd.s32 $0xFFFEC000  }
0x1b: {  	[tilespmem:s2], [sflag:$0x2] =	stream.linear.gather [hbm4b:s4+s2], $0x500, $0x38;
	[tilespmem:$0x14500] =	vst v63  }
0x1c: {  	_ =	swait.ge [sflag:s3], $0x500  }
0x1d: {  	[sflag:s3] =	ssyncset.done $0x0  }
0x1e: {  	[sflag:s3] =	ssyncadd.s32 $0xFFFFFB00  }
0x1f: {  	[tilespmem:s7], [sflag:$0x1] =	stream.indirect.gather [hbm4b:s5+s6], $0x80, s2, s6, $0xb8;
	[tilespmem:$0x14500] =	vst v63  }
0x20: {  	_ =	swait.ge [sflag:s8], $0x14000  }
0x21: {  	[sflag:s8] =	ssyncset.done $0x0  }
0x22: {  	[sflag:s8] =	ssyncadd.s32 $0xFFFEC000  }
0x23: {  	[hbm4b:s9+s2] =	stream.linear.scatter [tilespmem:s7], [sflag:$0x2], $0x14000, $0x38;
	[tilespmem:$0x14500] =	vst v63  }
0x24: {  	_ =	swait.ge [sflag:s3], $0x14000  }
0x25: {  	[sflag:s3] =	ssyncset.done $0x0  }
0x26: {  	[sflag:s3] =	ssyncadd.s32 $0xFFFEC000  }
0x27: {  	[tilespmem:s7], [sflag:$0x1] =	stream.indirect.gather [hbm4b:s5+s6], $0x80, s6, s6, $0xb8;
	[tilespmem:$0x14500] =	vst v63  }
0x28: {  	_ =	swait.ge [sflag:s8], $0x14000  }
.Ltmp1:
0x29: {  	[sflag:s8] =	ssyncset.done $0x0;
	(pc) =	sbr.rel @p0 .LBB2_1-.Ltmp1, $4  }
0x2a: {  	[sflag:s8] =	ssyncadd.s32 $0xFFFEC000  }
0x2b: {  	[hbm4b:s10+s2] =	stream.linear.scatter [tilespmem:s7], [sflag:$0x2], $0x14000, $0x38;
	[tilespmem:$0x14500] =	vst v63  }
0x2c: {  	_ =	swait.ge [sflag:s3], $0x14000  }
0x2d: {  	[sflag:s3] =	ssyncset.done $0x0  }
.LBB2_2:
0x2e: {  	[sflag:s3] =	ssyncadd.s32 $0xFFFEC000  }
0x2f: {  	_ =	sfence.sel $0x180000  }
0x30: {  	[bflag:$0x0] =	sbarrier.arrive $0xFFFF  }
0x31: {  	p0 =	sne.s32 s0, $0x0;
	_ =	strace $0x90000047  }
0x32: {  	s0 =	sadd.s32 @!p0 $0x100000, s1;
	[bflag:$0x2] =	sbarrier.arrive $0xFFFF  }
0x33: {  	[sflag:s0] =	ssyncadd.tile.s32 @!p0 $0x1;
	_ =	shalt  }
.Lfunc_end2:
_tile_overlayer_lowered:
.L_overlay_start_2:
0x34: {  	(tag) =	ssettag $0x2  }
0x35: {  	s0 =	rddreg [dreg:$0x0];
	s2 =	stileid.u32  }
0x36: {  	s1 =	rddreg [dreg:$0x1];
	p0 =	sne.s32 s2, $0x0  }
0x37: {  	s3 =	rddreg [dreg:$0x2];
	[bflag:$0x3] =	sbarrier.arrive $0xFFFF;
	s2 =	simm.s32 @!p0 $0x1C02  }
0x38: {  	[timem:s3], [sflag:s2] =	dma.local @!p0 [hbm:s0], s1  }
0x39: {  	s0 =	simm.s32 @!p0 $0x2  }
0x3a: {  	_ =	swait.ge @!p0 [sflag:s0], s1  }
0x3b: {  	s1 =	ssub.s32 @!p0 $0x0, s1;
	[sflag:s0] =	ssyncset.done @!p0 $0x0  }
0x3c: {  	[sflag:s0] =	ssyncadd.s32 @!p0 s1  }
0x3d: {  	[bflag:$0x3] =	sbarrier.arrive $0xFFFF  }
0x3e: {  	_ =	shalt  }

// kernel: kernel.14.cloned.1.call-start
scs
__scs_entry_jumppad:
0x0: {  	(pc) =	sbr.rel $0x88, $3  }
0x1: {  	(tag) =	ssettag $0x0;
	lr =	simm.s32 $0x1  }
0x2: {  	[smem:$0x3F95] =	sst lr;
	_ =	strace $0xD0000000  }
0x3: {  	_ = 	snop  }
0x4: {  	_ = 	snop  }
0x5: {  	_ = 	snop  }
0x6: {  	_ = 	snop  }
0x7: {  	_ = 	snop  }
__scs_overlays_trampoline_lowered:
0x8: {  	[smem:$0x3FA4] =	sst s0  }
0x9: {  	[smem:$0x3FA5] =	sst s1  }
0xa: {  	[smem:$0x3FA6] =	sst s2  }
0xb: {  	[smem:$0x3FA7] =	sst s3  }
0xc: {  	[smem:$0x3FA8] =	sst s4  }
0xd: {  	[smem:$0x3FA9] =	sst s5  }
0xe: {  	[smem:$0x3FAA] =	sst s6  }
0xf: {  	[smem:$0x3FAB] =	sst s7  }
0x10: {  	[smem:$0x3FAC] =	sst s8  }
0x11: {  	[smem:$0x3FAD] =	sst s9;
	s0 =	simm.s32 @!p0 $0x0  }
0x12: {  	s1 =	sld [smem:$0x3F93];
	s0 =	simm.s32 @p0 $0x1  }
0x13: {  	[smem:$0x3FAE] =	sst s0;
	s0 =	simm.s32 @!p1 $0x0  }
0x14: {  	s2 =	sld [smem:$0x3F92];
	s0 =	simm.s32 @p1 $0x1  }
0x15: {  	[smem:$0x3FAF] =	sst s0;
	s0 =	simm.s32 @!p2 $0x0  }
0x16: {  	s3 =	sld [smem:$0x3FDB];
	s0 =	simm.s32 @p2 $0x1  }
0x17: {  	s4 =	simm.s32 $0x1BF5;
	[smem:$0x3FB1] =	sst s0  }
0x18: {  	s0 =	sld [smem:$0x3F94];
	_ =	swait.ge [sflag:s4], $0x0  }
0x19: {  	s7 =	sld [smem:$0x3F95]  }
0x1a: {  	s8 =	sadd.s32 $0xFFFFE003, lr  }
0x1b: {  	s9 =	sadd.s32 $0xFFFFFEF7, lr;
	s5 =	simm.s32 $0xFFFFFFFF;
	p2 =	slt.u32 s8, $0xFFFFF086  }
0x1c: {  	p1 =	slt.u32 s9, $0xF7A;
	s5 =	simm.s32 @!p2 $0x0  }
0x1d: {  	s5 =	simm.s32 @p1 $0x1;
	p0 =	seq.s32 s7, s2  }
0x1e: {  	s7 =	smul.u32 @!p0 $0xF7A, s2;
	p2 =	seq.s32 @!p0 s5, $0x0  }
0x1f: {  	s9 =	smul.u32 $0xF7A, s1;
	s8 =	simm.s32 @!p0 $0x1BF5;
	p2 =	por !p2, p0  }
0x20: {  	[sflag:s8] =	ssyncset.s32 @!p0 $0xFFFFF086;
	s6 =	sadd.s32 @!p0 s3, s7;
	s7 =	simm.s32 @!p0 $0x108  }
0x21: {  	s3 =	sadd.s32 s3, s9;
	s6 =	sadd.s32 @!p0 $0x88, s6;
	s7 =	simm.s32 @p2 $0x1082  }
0x22: {  	[simem:s7], [sflag:s8] =	dma.local @!p0 [hbm:s6], $0xF7A  }
0x23: {  	s9 =	sor.u32 $0xD0000000, s2;
	s6 =	simm.s32 $0x108;
	_ =	swait.ge @!p0 [sflag:s8], $0x0  }
0x24: {  	s3 =	sadd.s32 $0x88, s3;
	s6 =	simm.s32 @!p1 $0x1082;
	[sflag:s4] =	ssyncset.s32 $0xFFFFF086  }
0x25: {  	[simem:s6], [sflag:s4] =	dma.local [hbm:s3], $0xF7A  }
0x26: {  	[smem:$0x3F95] =	sst s1;
	(tag) =	ssettag s2;
	_ =	strace s9  }
0x27: {  	s1 =	sld [smem:$0x3FA5]  }
0x28: {  	s2 =	sld [smem:$0x3FA6]  }
0x29: {  	s4 =	sld [smem:$0x3FA8]  }
0x2a: {  	p0 =	seq.s32 s5, $0x0;
	s5 =	sld [smem:$0x3FA9]  }
0x2b: {  	s6 =	sld [smem:$0x3FAA]  }
0x2c: {  	s7 =	sld [smem:$0x3FAB]  }
0x2d: {  	s3 =	simm.s32 $0x108;
	s8 =	sld [smem:$0x3FAC]  }
0x2e: {  	s3 =	simm.s32 @!p0 $0x1082;
	s9 =	sld [smem:$0x3FAD]  }
0x2f: {  	lr =	sadd.s32 s0, s3;
	s0 =	sld [smem:$0x3FA4]  }
0x30: {  	s3 =	sld [smem:$0x3FA7]  }
0x31: {  	[smem:$0x3FB0] =	sst s10  }
0x32: {  	s10 =	sld [smem:$0x3FAE];
	_ =	sdelay $0x3  }
0x33: {  	p0 =	seq.s32 s10, $0x1;
	s10 =	sld [smem:$0x3FB0];
	_ =	sdelay $0x3  }
0x34: {  	[smem:$0x3FB0] =	sst s10  }
0x35: {  	s10 =	sld [smem:$0x3FAF];
	_ =	sdelay $0x3  }
0x36: {  	p1 =	seq.s32 s10, $0x1;
	s10 =	sld [smem:$0x3FB0];
	_ =	sdelay $0x3  }
0x37: {  	[smem:$0x3FB0] =	sst s10  }
0x38: {  	s10 =	sld [smem:$0x3FB1]  }
0x39: {  	_ = 	snop;
	(pc) =	sbr.ind lr, $3  }
0x3a: {  	_ = 	snop  }
0x3b: {  	_ = 	snop  }
0x3c: {  	p2 =	seq.s32 s10, $0x1;
	s10 =	sld [smem:$0x3FB0]  }
0x3d: {  	_ =	shalt  }
0x3e: {  	_ =	shalt  }
0x3f: {  	_ =	shalt  }
0x40: {  	_ =	shalt  }
0x41: {  	_ =	shalt  }
0x42: {  	_ =	shalt  }
0x43: {  	_ =	shalt  }
0x44: {  	_ =	shalt  }
0x45: {  	_ =	shalt  }
0x46: {  	_ =	shalt  }
0x47: {  	_ =	shalt  }
0x48: {  	_ =	shalt  }
0x49: {  	_ =	shalt  }
0x4a: {  	_ =	shalt  }
0x4b: {  	_ =	shalt  }
0x4c: {  	_ =	shalt  }
0x4d: {  	_ =	shalt  }
0x4e: {  	_ =	shalt  }
0x4f: {  	_ =	shalt  }
0x50: {  	_ =	shalt  }
0x51: {  	_ =	shalt  }
0x52: {  	_ =	shalt  }
0x53: {  	_ =	shalt  }
0x54: {  	_ =	shalt  }
0x55: {  	_ =	shalt  }
0x56: {  	_ =	shalt  }
0x57: {  	_ =	shalt  }
0x58: {  	_ =	shalt  }
0x59: {  	_ =	shalt  }
0x5a: {  	_ =	shalt  }
0x5b: {  	_ =	shalt  }
0x5c: {  	_ =	shalt  }
0x5d: {  	_ =	shalt  }
0x5e: {  	_ =	shalt  }
0x5f: {  	_ =	shalt  }
0x60: {  	_ =	shalt  }
0x61: {  	_ =	shalt  }
0x62: {  	_ =	shalt  }
0x63: {  	_ =	shalt  }
0x64: {  	_ =	shalt  }
0x65: {  	_ =	shalt  }
0x66: {  	_ =	shalt  }
0x67: {  	_ =	shalt  }
0x68: {  	_ =	shalt  }
0x69: {  	_ =	shalt  }
0x6a: {  	_ =	shalt  }
0x6b: {  	_ =	shalt  }
0x6c: {  	_ =	shalt  }
0x6d: {  	_ =	shalt  }
0x6e: {  	_ =	shalt  }
0x6f: {  	_ =	shalt  }
0x70: {  	_ =	shalt  }
0x71: {  	_ =	shalt  }
0x72: {  	_ =	shalt  }
0x73: {  	_ =	shalt  }
0x74: {  	_ =	shalt  }
0x75: {  	_ =	shalt  }
0x76: {  	_ =	shalt  }
0x77: {  	_ =	shalt  }
0x78: {  	_ =	shalt  }
0x79: {  	_ =	shalt  }
0x7a: {  	_ =	shalt  }
0x7b: {  	_ =	shalt  }
0x7c: {  	_ =	shalt  }
0x7d: {  	_ =	shalt  }
0x7e: {  	_ =	shalt  }
0x7f: {  	_ =	shalt  }
0x80: {  	_ =	shalt  }
0x81: {  	_ =	shalt  }
0x82: {  	_ =	shalt  }
0x83: {  	_ =	shalt  }
0x84: {  	_ =	shalt  }
0x85: {  	_ =	shalt  }
0x86: {  	_ =	shalt  }
0x87: {  	_ =	shalt  }
.Lfunc_end0:
.L_simem_size_0:
called_computation.1_lowered:
.L_overlay_start_0:
0x88: {  	s2 =	sld [smem:$0x3FD9]  }
0x89: {  	s3 =	sld [smem:$0x3FFE];
	_ =	sdelay $0x1  }
0x8a: {  	s1 =	srdreg.scid  }
0x8b: {  	s0 =	sand.u32 $0x1, s1  }
0x8c: {  	s17 =	sshll.u32 s0, $0xA;
	s2 =	sadd.s32 s3, s2  }
0x8d: {  	s2 =	sadd.s32 s2, s17  }
0x8e: {  	[smem:$0x3FBC] =	sst s2  }
0x8f: {  	_ = 	snop  }
0x90: {  	s2 =	sld [smem:$0x3FC8];
	(tm) =	ssettm $0x1  }
0x91: {  	s18 =	sld [smem:$0x3FFB];
	_ =	sdelay $0x3  }
0x92: {  	_ =	strace s18  }
0x93: {  	s3 =	sld [smem:$0x3FFC];
	_ =	sdelay $0x3  }
0x94: {  	_ =	strace s3  }
0x95: {  	s3 =	sld [smem:$0x3FFD];
	_ =	sdelay $0x3  }
0x96: {  	_ =	strace s3  }
0x97: {  	_ =	strace $0x8FFFFFFF  }
0x98: {  	s19 =	sld [smem:$0x3FDB];
	_ =	sdelay $0x1  }
0x99: {  	s4 =	simm.s32 $_scs_section_size  }
0x9a: {  	s5 =	simm.s32 $_size__tile_overlayer_lowered;
	s6 =	simm.s32 $_tile_overlayer_lowered  }
0x9b: {  	s22 =	simm.s32 $0x1BFF;
	s21 =	sshll.u32 s6, $0x1;
	s3 =	sadd.s32 s4, s19  }
0x9c: {  	s7 =	simm.s32 $0x0;
	s20 =	sshll.u32 s5, $0x1;
	s5 =	sadd.s32 s21, s3  }
0x9d: {  	[timem:s7], [sflag:s22] =	dma.local [hbm:s5], s20  }
0x9e: {  	_ =	swait.ge [sflag:s22], s20  }
0x9f: {  	s4 =	ssub.s32 $0x0, s20;
	[sflag:s22] =	ssyncset.done $0x0  }
0xa0: {  	[sflag:s22] =	ssyncadd.s32 s4;
	_ =	sdelay $0x1  }
0xa1: {  	s23 =	simm.s32 $0x1B8B  }
0xa2: {  	_ =	swait.ge [sflag:s23], $0x1  }
0xa3: {  	[sflag:s23] =	ssyncset.done $0x0  }
0xa4: {  	s25 =	simm.s32 $0x1B8E;
	s24 =	sld [smem:$0x3FFE];
	[sflag:s23] =	ssyncadd.s32 $0xFFFFFFFF  }
0xa5: {  	s26 =	simm.s32 $execute0_lowered;
	[smem:$0x3FD2] =	sst s25  }
0xa6: {  	s5 =	sshll.u32 s26, $0x1;
	_ =	strace $0x80000049;
	[dreg:$0x1] =	wrdreg $0xFFFFFFFF  }
0xa7: {  	s28 =	simm.s32 $_size_execute0_lowered;
	s3 =	sadd.s32 s3, s5;
	[dreg:$0x0] =	wrdreg $0x0  }
0xa8: {  	s5 =	sshll.u32 s28, $0x1;
	[dreg:$0x2] =	wrdreg s3  }
0xa9: {  	[dreg:$0x3] =	wrdreg s5  }
0xaa: {  	[dreg:$0x4] =	wrdreg $0xC0  }
0xab: {  	_ =	task [dreg:s7], $0x5FFFF  }
0xac: {  	[dreg:$0x1] =	wrdreg $0xFFFFFFFF  }
0xad: {  	[dreg:$0x0] =	wrdreg $0x60  }
0xae: {  	[dreg:$0x2] =	wrdreg s2  }
0xaf: {  	[dreg:$0x3] =	wrdreg s24  }
0xb0: {  	[dreg:$0x4] =	wrdreg $0x9  }
0xb1: {  	_ =	task.clear_ibuf [dreg:s7], $0x5FFFF;
	_ =	strace $0x90000049  }
0xb2: {  	s29 =	simm.s32 $0x9;
	_ =	strace $0x8000004B  }
0xb3: {  	_ =	swait.ge [sflag:s29], $0x1  }
0xb4: {  	[sflag:s29] =	ssyncadd.s32 $0xFFFFFFFF  }
0xb5: {  	_ =	strace $0x9000004B  }
0xb6: {  	_ =	sfence  }
0xb7: {  	s30 =	sld [smem:$0x0];
	_ =	sdelay $0x2  }
0xb8: {  	s31 =	sshll.u32 s1, $0xD;
	s1 =	sshrl.u32 s1, $0x2  }
0xb9: {  	s3 =	sand.u32 $0x4000, s31;
	s1 =	sadd.s32 s1, s30  }
0xba: {  	s0 =	sor.u32 s3, s0;
	s1 =	sshll.u32 s1, $0x11  }
0xbb: {  	s0 =	sor.u32 s1, s0  }
0xbc: {  	s0 =	sadd.s32 $0x8F2B, s0  }
0xbd: {  	[sflag:s0] =	ssyncadd.remote.s32 $0x1  }
0xbe: {  	_ =	sfence.sel $0xFFFF  }
0xbf: {  	[dreg:$0x0] =	wrdreg $0xFFFFFFFF;
	(pc) =	sbr.abs _section_cstart, $3  }
0xc0: {  	[dreg:$0x1] =	wrdreg $0xFFFFFFFF  }
0xc1: {  	_ =	task.clear_ibuf [dreg:s7], $0x2FFFF;
	_ =	strace $0x9FFFFFFF  }
0xc2: {  	(tm) =	ssettm $0x7FFFFFFF  }
0xc3: {  	_ =	shalt  }
tec
execute0_lowered:
.L_overlay_start_1:
0x0: {  	(tag) =	ssettag $0x1  }
0x1: {  	s2 =	rddreg [dreg:$0x0]  }
0x2: {  	s0 =	rddreg [dreg:$0x1]  }
0x3: {  	s1 =	srdreg.scid;
	s6 =	stileid.u32;
	s3 =	simm.s32 $0x0  }
0x4: {  	s16 =	simm.s32 $0xC00;
	s17 =	simm.s32 $0x1400;
	s18 =	simm.s32 $0x1C00  }
0x5: {  	s19 =	simm.s32 $0x2400;
	s21 =	simm.s32 $0x2C00;
	s22 =	simm.s32 $0x3400  }
0x6: {  	s23 =	simm.s32 $0x3C00;
	s24 =	simm.s32 $0x4400;
	s25 =	simm.s32 $0x4C00  }
0x7: {  	s7 =	simm.s32 $0x400;
	s26 =	simm.s32 $0x5400;
	[smem:$0x7FF] =	sst s3  }
0x8: {  	s8 =	simm.s32 $0x5C00;
	_ =	strace $0x8000004A;
	[dreg:$0x4] =	wrdreg s16  }
0x9: {  	s9 =	simm.s32 $0x6400;
	s10 =	simm.s32 $0x6C00;
	[dreg:$0x5] =	wrdreg s17  }
0xa: {  	s11 =	simm.s32 $0x7400;
	s12 =	simm.s32 $0x7C00;
	[dreg:$0x6] =	wrdreg s18  }
0xb: {  	s13 =	simm.s32 $0x8400;
	s28 =	simm.s32 $0xF400;
	[dreg:$0x7] =	wrdreg s19  }
0xc: {  	s29 =	simm.s32 $0xFC00;
	s30 =	simm.s32 $0x1;
	[dreg:$0x8] =	wrdreg s21  }
0xd: {  	s31 =	simm.s32 $0x0;
	s1 =	sand.u32 $0x1, s1;
	[dreg:$0x9] =	wrdreg s22  }
0xe: {  	s4 =	sshll.u32 s6, $0x10;
	s14 =	sshll.u32 s6, $0xB;
	[dreg:$0xa] =	wrdreg s23  }
0xf: {  	s6 =	simm.s32 $0x2;
	s4 =	sadd.s32 s4, s0;
	[dreg:$0xb] =	wrdreg s24  }
0x10: {  	s5 =	sshll.u32 s1, $0xF;
	s15 =	sshll.u32 s1, $0xA;
	[dreg:$0xc] =	wrdreg s25  }
0x11: {  	s1 =	ssub.s32 $0x2, s1;
	[dreg:$0xd] =	wrdreg s26;
	s16 =	simm.s32 $0x9C00  }
0x12: {  	s17 =	simm.s32 $0xA400;
	s18 =	simm.s32 $0xAC00;
	s19 =	simm.s32 $0xB400  }
0x13: {  	s21 =	simm.s32 $0xC400;
	s22 =	simm.s32 $0xCC00;
	s23 =	simm.s32 $0xD400  }
0x14: {  	s24 =	simm.s32 $0xDC00;
	s25 =	simm.s32 $0xE400;
	s26 =	simm.s32 $0xEC00  }
0x15: {  	s4 =	sadd.s32 s5, s4;
	s5 =	sor.u32 s15, s14;
	s20 =	sshrl.u32 s1, $0x1  }
0x16: {  	s4 =	sadd.s32 $0x13A00, s4;
	s5 =	sshrl.u32 s5, $0x3;
	s1 =	ssub.s32 s1, s20  }
0x17: {  	v2 =	vlaneseq.u32;
	[dreg:$0x3] =	wrdreg s4;
	s0 =	sadd.s32 s5, s0;
	s1 =	smax.u32 s1, $0x1  }
0x18: {  	vm0 =	vmmov $0xffff;
	v1 =	vshrl.u32 v2, $0x3;
	s14 =	simm.s32 $0x8C00;
	s0 =	sadd.s32 $0x12A00, s0;
	[dreg:$0xf] =	wrdreg s1  }
0x19: {  	v0 =	vand.u32 $0x7, v2;
	v2 =	vor.u32 $0x8, v2;
	v1 =	vmul.u32 $0x8, v1;
	s15 =	simm.s32 $0x9400;
	s20 =	simm.s32 $0xBC00;
	[dreg:$0xe] =	wrdreg s0  }
.LBB2_1:
0x1a: {  	s0 =	rddreg [dreg:$0xe]  }
0x1b: {  	[tilespmem:s3], [sflag:$0x2] =	stream.linear.gather [hbm4b:s0+s3], $0x400, $0x38;
	[tilespmem:$0x10400] =	vst v63  }
0x1c: {  	_ =	swait.ge [sflag:s6], $0x400  }
0x1d: {  	[sflag:s6] =	ssyncset.done $0x0  }
0x1e: {  	s1 =	simm.s32 $0x0;
	s0 =	simm.s32 $0x80;
	[sflag:s6] =	ssyncadd.s32 $0xFFFFFC00  }
.LBB2_2:
0x1f: {  	v3 =	vld [tilespmem:s0+$0xFFFFFF80];
	_ =	sdelay $0x4  }
0x20: {  	v4 =	vshll.u32 v3, $0x1  }
0x21: {  	v3 =	vand.u32 $0x7, v3;
	v4 =	vand.u32 $0xFFFFFFF0, v4  }
0x22: {  	v3 =	vor.u32 v3, v4  }
0x23: {  	v4 =	vperm.xlane v3, v0;
	_ =	sdelay $0x1  }
0x24: {  	v3 =	vperm.xlane v3, v2;
	v4 =	vadd.s32 v1, v4;
	_ =	sdelay $0x1  }
0x25: {  	v3 =	vadd.s32 v1, v3;
	_ =	sdelay $0x2  }
0x26: {  	[tilespmem:s7], [sflag:$0x1] =	stream.indirect_vreg.gather [hbm4b:s2+s3], $0x80, v4, vm0, $0xb8;
	[tilespmem:$0x10400] =	vst v63  }
0x27: {  	s4 =	rddreg [dreg:$0x4]  }
0x28: {  	[tilespmem:s4], [sflag:$0x1] =	stream.indirect_vreg.gather [hbm4b:s2+s3], $0x80, v3, vm0, $0xb8;
	[tilespmem:$0x10400] =	vst v63  }
0x29: {  	v3 =	vld [tilespmem:s0+$0xFFFFFF90];
	_ =	sdelay $0x4  }
0x2a: {  	v49 =	vshll.u32 v3, $0x1  }
0x2b: {  	v3 =	vand.u32 $0x7, v3;
	v4 =	vand.u32 $0xFFFFFFF0, v49  }
0x2c: {  	v3 =	vor.u32 v3, v4  }
0x2d: {  	v4 =	vperm.xlane v3, v0;
	_ =	sdelay $0x1  }
0x2e: {  	v3 =	vperm.xlane v3, v2;
	v4 =	vadd.s32 v1, v4;
	_ =	sdelay $0x1  }
0x2f: {  	v3 =	vadd.s32 v1, v3;
	_ =	sdelay $0x1  }
0x30: {  	s4 =	rddreg [dreg:$0x5]  }
0x31: {  	[tilespmem:s4], [sflag:$0x1] =	stream.indirect_vreg.gather [hbm4b:s2+s3], $0x80, v4, vm0, $0xb8;
	[tilespmem:$0x10400] =	vst v63  }
0x32: {  	s5 =	rddreg [dreg:$0x6]  }
0x33: {  	[tilespmem:s5], [sflag:$0x1] =	stream.indirect_vreg.gather [hbm4b:s2+s3], $0x80, v3, vm0, $0xb8;
	[tilespmem:$0x10400] =	vst v63  }
0x34: {  	v3 =	vld [tilespmem:s0+$0xFFFFFFA0];
	_ =	sdelay $0x4  }
0x35: {  	v50 =	vshll.u32 v3, $0x1  }
0x36: {  	v3 =	vand.u32 $0x7, v3;
	v4 =	vand.u32 $0xFFFFFFF0, v50  }
0x37: {  	v3 =	vor.u32 v3, v4  }
0x38: {  	v4 =	vperm.xlane v3, v0;
	_ =	sdelay $0x1  }
0x39: {  	v3 =	vperm.xlane v3, v2;
	v4 =	vadd.s32 v1, v4;
	_ =	sdelay $0x1  }
0x3a: {  	v3 =	vadd.s32 v1, v3;
	_ =	sdelay $0x1  }
0x3b: {  	s4 =	rddreg [dreg:$0x7]  }
0x3c: {  	[tilespmem:s4], [sflag:$0x1] =	stream.indirect_vreg.gather [hbm4b:s2+s3], $0x80, v4, vm0, $0xb8;
	[tilespmem:$0x10400] =	vst v63  }
0x3d: {  	s5 =	rddreg [dreg:$0x8]  }
0x3e: {  	[tilespmem:s5], [sflag:$0x1] =	stream.indirect_vreg.gather [hbm4b:s2+s3], $0x80, v3, vm0, $0xb8;
	[tilespmem:$0x10400] =	vst v63  }
0x3f: {  	v3 =	vld [tilespmem:s0+$0xFFFFFFB0];
	_ =	sdelay $0x4  }
0x40: {  	v51 =	vshll.u32 v3, $0x1  }
0x41: {  	v3 =	vand.u32 $0x7, v3;
	v4 =	vand.u32 $0xFFFFFFF0, v51  }
0x42: {  	v3 =	vor.u32 v3, v4  }
0x43: {  	v4 =	vperm.xlane v3, v0;
	_ =	sdelay $0x1  }
0x44: {  	v3 =	vperm.xlane v3, v2;
	v4 =	vadd.s32 v1, v4;
	_ =	sdelay $0x1  }
0x45: {  	v3 =	vadd.s32 v1, v3;
	_ =	sdelay $0x1  }
0x46: {  	s4 =	rddreg [dreg:$0x9]  }
0x47: {  	[tilespmem:s4], [sflag:$0x1] =	stream.indirect_vreg.gather [hbm4b:s2+s3], $0x80, v4, vm0, $0xb8;
	[tilespmem:$0x10400] =	vst v63  }
0x48: {  	s5 =	rddreg [dreg:$0xa]  }
0x49: {  	[tilespmem:s5], [sflag:$0x1] =	stream.indirect_vreg.gather [hbm4b:s2+s3], $0x80, v3, vm0, $0xb8;
	[tilespmem:$0x10400] =	vst v63  }
0x4a: {  	v3 =	vld [tilespmem:s0+$0xFFFFFFC0];
	_ =	sdelay $0x4  }
0x4b: {  	v52 =	vshll.u32 v3, $0x1  }
0x4c: {  	v3 =	vand.u32 $0x7, v3;
	v4 =	vand.u32 $0xFFFFFFF0, v52  }
0x4d: {  	v3 =	vor.u32 v3, v4  }
0x4e: {  	v4 =	vperm.xlane v3, v0;
	_ =	sdelay $0x1  }
0x4f: {  	v3 =	vperm.xlane v3, v2;
	v4 =	vadd.s32 v1, v4;
	_ =	sdelay $0x1  }
0x50: {  	v3 =	vadd.s32 v1, v3;
	_ =	sdelay $0x1  }
0x51: {  	s4 =	rddreg [dreg:$0xb]  }
0x52: {  	[tilespmem:s4], [sflag:$0x1] =	stream.indirect_vreg.gather [hbm4b:s2+s3], $0x80, v4, vm0, $0xb8;
	[tilespmem:$0x10400] =	vst v63  }
0x53: {  	s5 =	rddreg [dreg:$0xc]  }
0x54: {  	[tilespmem:s5], [sflag:$0x1] =	stream.indirect_vreg.gather [hbm4b:s2+s3], $0x80, v3, vm0, $0xb8;
	[tilespmem:$0x10400] =	vst v63  }
0x55: {  	v3 =	vld [tilespmem:s0+$0xFFFFFFD0];
	_ =	sdelay $0x4  }
0x56: {  	v53 =	vshll.u32 v3, $0x1  }
0x57: {  	v3 =	vand.u32 $0x7, v3;
	v4 =	vand.u32 $0xFFFFFFF0, v53  }
0x58: {  	v3 =	vor.u32 v3, v4  }
0x59: {  	v4 =	vperm.xlane v3, v0;
	_ =	sdelay $0x1  }
0x5a: {  	v3 =	vperm.xlane v3, v2;
	v4 =	vadd.s32 v1, v4;
	_ =	sdelay $0x1  }
0x5b: {  	v3 =	vadd.s32 v1, v3;
	_ =	sdelay $0x1  }
0x5c: {  	s5 =	rddreg [dreg:$0xd]  }
0x5d: {  	[tilespmem:s5], [sflag:$0x1] =	stream.indirect_vreg.gather [hbm4b:s2+s3], $0x80, v4, vm0, $0xb8;
	[tilespmem:$0x10400] =	vst v63  }
0x5e: {  	_ = 	snop  }
0x5f: {  	[tilespmem:s8], [sflag:$0x1] =	stream.indirect_vreg.gather [hbm4b:s2+s3], $0x80, v3, vm0, $0xb8;
	[tilespmem:$0x10400] =	vst v63  }
0x60: {  	v3 =	vld [tilespmem:s0+$0xFFFFFFE0];
	_ =	sdelay $0x4  }
0x61: {  	v54 =	vshll.u32 v3, $0x1  }
0x62: {  	v3 =	vand.u32 $0x7, v3;
	v4 =	vand.u32 $0xFFFFFFF0, v54  }
0x63: {  	v3 =	vor.u32 v3, v4  }
0x64: {  	v4 =	vperm.xlane v3, v0;
	_ =	sdelay $0x1  }
0x65: {  	v3 =	vperm.xlane v3, v2;
	v4 =	vadd.s32 v1, v4;
	_ =	sdelay $0x1  }
0x66: {  	v3 =	vadd.s32 v1, v3;
	_ =	sdelay $0x2  }
0x67: {  	[tilespmem:s9], [sflag:$0x1] =	stream.indirect_vreg.gather [hbm4b:s2+s3], $0x80, v4, vm0, $0xb8;
	[tilespmem:$0x10400] =	vst v63  }
0x68: {  	_ = 	snop  }
0x69: {  	[tilespmem:s10], [sflag:$0x1] =	stream.indirect_vreg.gather [hbm4b:s2+s3], $0x80, v3, vm0, $0xb8;
	[tilespmem:$0x10400] =	vst v63  }
0x6a: {  	v3 =	vld [tilespmem:s0+$0xFFFFFFF0];
	_ =	sdelay $0x4  }
0x6b: {  	v55 =	vshll.u32 v3, $0x1  }
0x6c: {  	v3 =	vand.u32 $0x7, v3;
	v4 =	vand.u32 $0xFFFFFFF0, v55  }
0x6d: {  	v3 =	vor.u32 v3, v4  }
0x6e: {  	v4 =	vperm.xlane v3, v0;
	_ =	sdelay $0x1  }
0x6f: {  	v3 =	vperm.xlane v3, v2;
	v4 =	vadd.s32 v1, v4;
	_ =	sdelay $0x1  }
0x70: {  	v3 =	vadd.s32 v1, v3;
	_ =	sdelay $0x2  }
0x71: {  	[tilespmem:s11], [sflag:$0x1] =	stream.indirect_vreg.gather [hbm4b:s2+s3], $0x80, v4, vm0, $0xb8;
	[tilespmem:$0x10400] =	vst v63  }
0x72: {  	_ = 	snop  }
0x73: {  	[tilespmem:s12], [sflag:$0x1] =	stream.indirect_vreg.gather [hbm4b:s2+s3], $0x80, v3, vm0, $0xb8;
	[tilespmem:$0x10400] =	vst v63  }
0x74: {  	v3 =	vld [tilespmem:s0+$0x0];
	_ =	sdelay $0x4  }
0x75: {  	v56 =	vshll.u32 v3, $0x1  }
0x76: {  	v3 =	vand.u32 $0x7, v3;
	v4 =	vand.u32 $0xFFFFFFF0, v56  }
0x77: {  	v3 =	vor.u32 v3, v4  }
0x78: {  	v4 =	vperm.xlane v3, v0;
	_ =	sdelay $0x1  }
0x79: {  	v3 =	vperm.xlane v3, v2;
	v4 =	vadd.s32 v1, v4;
	_ =	sdelay $0x1  }
0x7a: {  	v3 =	vadd.s32 v1, v3;
	_ =	sdelay $0x2  }
0x7b: {  	[tilespmem:s13], [sflag:$0x1] =	stream.indirect_vreg.gather [hbm4b:s2+s3], $0x80, v4, vm0, $0xb8;
	[tilespmem:$0x10400] =	vst v63  }
0x7c: {  	_ = 	snop  }
0x7d: {  	[tilespmem:s14], [sflag:$0x1] =	stream.indirect_vreg.gather [hbm4b:s2+s3], $0x80, v3, vm0, $0xb8;
	[tilespmem:$0x10400] =	vst v63  }
0x7e: {  	v3 =	vld [tilespmem:s0+$0x10];
	_ =	sdelay $0x4  }
0x7f: {  	v57 =	vshll.u32 v3, $0x1  }
0x80: {  	v3 =	vand.u32 $0x7, v3;
	v4 =	vand.u32 $0xFFFFFFF0, v57  }
0x81: {  	v3 =	vor.u32 v3, v4  }
0x82: {  	v4 =	vperm.xlane v3, v0;
	_ =	sdelay $0x1  }
0x83: {  	v3 =	vperm.xlane v3, v2;
	v4 =	vadd.s32 v1, v4;
	_ =	sdelay $0x1  }
0x84: {  	v3 =	vadd.s32 v1, v3;
	_ =	sdelay $0x2  }
0x85: {  	[tilespmem:s15], [sflag:$0x1] =	stream.indirect_vreg.gather [hbm4b:s2+s3], $0x80, v4, vm0, $0xb8;
	[tilespmem:$0x10400] =	vst v63  }
0x86: {  	_ = 	snop  }
0x87: {  	[tilespmem:s16], [sflag:$0x1] =	stream.indirect_vreg.gather [hbm4b:s2+s3], $0x80, v3, vm0, $0xb8;
	[tilespmem:$0x10400] =	vst v63  }
0x88: {  	v3 =	vld [tilespmem:s0+$0x20];
	_ =	sdelay $0x4  }
0x89: {  	v58 =	vshll.u32 v3, $0x1  }
0x8a: {  	v3 =	vand.u32 $0x7, v3;
	v4 =	vand.u32 $0xFFFFFFF0, v58  }
0x8b: {  	v3 =	vor.u32 v3, v4  }
0x8c: {  	v4 =	vperm.xlane v3, v0;
	_ =	sdelay $0x1  }
0x8d: {  	v3 =	vperm.xlane v3, v2;
	v4 =	vadd.s32 v1, v4;
	_ =	sdelay $0x1  }
0x8e: {  	v3 =	vadd.s32 v1, v3;
	_ =	sdelay $0x2  }
0x8f: {  	[tilespmem:s17], [sflag:$0x1] =	stream.indirect_vreg.gather [hbm4b:s2+s3], $0x80, v4, vm0, $0xb8;
	[tilespmem:$0x10400] =	vst v63  }
0x90: {  	_ = 	snop  }
0x91: {  	[tilespmem:s18], [sflag:$0x1] =	stream.indirect_vreg.gather [hbm4b:s2+s3], $0x80, v3, vm0, $0xb8;
	[tilespmem:$0x10400] =	vst v63  }
0x92: {  	v3 =	vld [tilespmem:s0+$0x30];
	_ =	sdelay $0x4  }
0x93: {  	v59 =	vshll.u32 v3, $0x1  }
0x94: {  	v3 =	vand.u32 $0x7, v3;
	v4 =	vand.u32 $0xFFFFFFF0, v59  }
0x95: {  	v3 =	vor.u32 v3, v4  }
0x96: {  	v4 =	vperm.xlane v3, v0;
	_ =	sdelay $0x1  }
0x97: {  	v3 =	vperm.xlane v3, v2;
	v4 =	vadd.s32 v1, v4;
	_ =	sdelay $0x1  }
0x98: {  	v3 =	vadd.s32 v1, v3;
	_ =	sdelay $0x2  }
0x99: {  	[tilespmem:s19], [sflag:$0x1] =	stream.indirect_vreg.gather [hbm4b:s2+s3], $0x80, v4, vm0, $0xb8;
	[tilespmem:$0x10400] =	vst v63  }
0x9a: {  	_ = 	snop  }
0x9b: {  	[tilespmem:s20], [sflag:$0x1] =	stream.indirect_vreg.gather [hbm4b:s2+s3], $0x80, v3, vm0, $0xb8;
	[tilespmem:$0x10400] =	vst v63  }
0x9c: {  	v3 =	vld [tilespmem:s0+$0x40];
	_ =	sdelay $0x4  }
0x9d: {  	v60 =	vshll.u32 v3, $0x1  }
0x9e: {  	v3 =	vand.u32 $0x7, v3;
	v4 =	vand.u32 $0xFFFFFFF0, v60  }
0x9f: {  	v3 =	vor.u32 v3, v4  }
0xa0: {  	v4 =	vperm.xlane v3, v0;
	_ =	sdelay $0x1  }
0xa1: {  	v3 =	vperm.xlane v3, v2;
	v4 =	vadd.s32 v1, v4;
	_ =	sdelay $0x1  }
0xa2: {  	v3 =	vadd.s32 v1, v3;
	_ =	sdelay $0x2  }
0xa3: {  	[tilespmem:s21], [sflag:$0x1] =	stream.indirect_vreg.gather [hbm4b:s2+s3], $0x80, v4, vm0, $0xb8;
	[tilespmem:$0x10400] =	vst v63  }
0xa4: {  	_ = 	snop  }
0xa5: {  	[tilespmem:s22], [sflag:$0x1] =	stream.indirect_vreg.gather [hbm4b:s2+s3], $0x80, v3, vm0, $0xb8;
	[tilespmem:$0x10400] =	vst v63  }
0xa6: {  	v3 =	vld [tilespmem:s0+$0x50];
	_ =	sdelay $0x4  }
0xa7: {  	v61 =	vshll.u32 v3, $0x1  }
0xa8: {  	v3 =	vand.u32 $0x7, v3;
	v4 =	vand.u32 $0xFFFFFFF0, v61  }
0xa9: {  	v3 =	vor.u32 v3, v4  }
0xaa: {  	v4 =	vperm.xlane v3, v0;
	_ =	sdelay $0x1  }
0xab: {  	v3 =	vperm.xlane v3, v2;
	v4 =	vadd.s32 v1, v4;
	_ =	sdelay $0x1  }
0xac: {  	v3 =	vadd.s32 v1, v3;
	_ =	sdelay $0x2  }
0xad: {  	[tilespmem:s23], [sflag:$0x1] =	stream.indirect_vreg.gather [hbm4b:s2+s3], $0x80, v4, vm0, $0xb8;
	[tilespmem:$0x10400] =	vst v63  }
0xae: {  	_ = 	snop  }
0xaf: {  	[tilespmem:s24], [sflag:$0x1] =	stream.indirect_vreg.gather [hbm4b:s2+s3], $0x80, v3, vm0, $0xb8;
	[tilespmem:$0x10400] =	vst v63  }
0xb0: {  	v3 =	vld [tilespmem:s0+$0x60];
	_ =	sdelay $0x4  }
0xb1: {  	v62 =	vshll.u32 v3, $0x1  }
0xb2: {  	v3 =	vand.u32 $0x7, v3;
	v4 =	vand.u32 $0xFFFFFFF0, v62  }
0xb3: {  	v3 =	vor.u32 v3, v4  }
0xb4: {  	v4 =	vperm.xlane v3, v0;
	_ =	sdelay $0x1  }
0xb5: {  	v3 =	vperm.xlane v3, v2;
	v4 =	vadd.s32 v1, v4;
	_ =	sdelay $0x1  }
0xb6: {  	v3 =	vadd.s32 v1, v3;
	_ =	sdelay $0x2  }
0xb7: {  	[tilespmem:s25], [sflag:$0x1] =	stream.indirect_vreg.gather [hbm4b:s2+s3], $0x80, v4, vm0, $0xb8;
	[tilespmem:$0x10400] =	vst v63  }
0xb8: {  	_ = 	snop  }
0xb9: {  	[tilespmem:s26], [sflag:$0x1] =	stream.indirect_vreg.gather [hbm4b:s2+s3], $0x80, v3, vm0, $0xb8;
	[tilespmem:$0x10400] =	vst v63  }
0xba: {  	v3 =	vld [tilespmem:s0+$0x70];
	_ =	sdelay $0x4  }
0xbb: {  	v63 =	vshll.u32 v3, $0x1  }
0xbc: {  	v3 =	vand.u32 $0x7, v3;
	v4 =	vand.u32 $0xFFFFFFF0, v63  }
0xbd: {  	v3 =	vor.u32 v3, v4  }
0xbe: {  	v4 =	vperm.xlane v3, v0;
	_ =	sdelay $0x1  }
0xbf: {  	v3 =	vperm.xlane v3, v2;
	v4 =	vadd.s32 v1, v4;
	_ =	sdelay $0x1  }
0xc0: {  	v3 =	vadd.s32 v1, v3;
	_ =	sdelay $0x2  }
0xc1: {  	[tilespmem:s28], [sflag:$0x1] =	stream.indirect_vreg.gather [hbm4b:s2+s3], $0x80, v4, vm0, $0xb8;
	[tilespmem:$0x10400] =	vst v63  }
0xc2: {  	_ = 	snop  }
0xc3: {  	[tilespmem:s29], [sflag:$0x1] =	stream.indirect_vreg.gather [hbm4b:s2+s3], $0x80, v3, vm0, $0xb8;
	[tilespmem:$0x10400] =	vst v63  }
0xc4: {  	_ =	swait.ge [sflag:s30], $0x10000  }
0xc5: {  	p0 =	sne.s32 s1, $0x6000;
	s5 =	rddreg [dreg:$0x3];
	[sflag:s30] =	ssyncset.done $0x0  }
.Ltmp0:
0xc6: {  	[sflag:s30] =	ssyncadd.s32 $0xFFFF0000;
	s4 =	sadd.s32 s1, s5;
	(pc) =	sbr.rel @p0 .LBB2_2-.Ltmp0, $4  }
0xc7: {  	[hbm4b:s4+s3] =	stream.linear.scatter [tilespmem:s7], [sflag:$0x2], $0x10000, $0x38;
	[tilespmem:$0x10400] =	vst v63  }
0xc8: {  	_ =	swait.ge [sflag:s6], $0x10000  }
0xc9: {  	[sflag:s6] =	ssyncset.done $0x0  }
0xca: {  	s0 =	sadd.s32 $0x100, s0;
	s1 =	sadd.s32 $0x2000, s1;
	[sflag:s6] =	ssyncadd.s32 $0xFFFF0000  }
0xcb: {  	s31 =	sadd.s32 $0x1, s31;
	s0 =	rddreg [dreg:$0xf]  }
0xcc: {  	p0 =	sne.s32 s31, s0  }
.Ltmp1:
0xcd: {  	_ = 	snop;
	(pc) =	sbr.rel @p0 .LBB2_1-.Ltmp1, $1  }
0xce: {  	_ =	sdelay $0x3  }
0xcf: {  	_ =	sfence.sel $0x180000  }
0xd0: {  	[bflag:$0x0] =	sbarrier.arrive $0xFFFF  }
0xd1: {  	_ =	strace $0x9000004A  }
0xd2: {  	s0 =	stileid.u32;
	[bflag:$0x2] =	sbarrier.arrive $0xFFFF  }
0xd3: {  	p0 =	sne.s32 s0, $0x0;
	s0 =	rddreg [dreg:$0x2]  }
0xd4: {  	s0 =	sadd.s32 @!p0 $0x100000, s0  }
0xd5: {  	[sflag:s0] =	ssyncadd.tile.s32 @!p0 $0x1;
	_ =	shalt  }
.Lfunc_end2:
_tile_overlayer_lowered:
.L_overlay_start_2:
0xd6: {  	(tag) =	ssettag $0x2  }
0xd7: {  	s0 =	rddreg [dreg:$0x0];
	s2 =	stileid.u32  }
0xd8: {  	s1 =	rddreg [dreg:$0x1];
	p0 =	sne.s32 s2, $0x0  }
0xd9: {  	s3 =	rddreg [dreg:$0x2];
	[bflag:$0x3] =	sbarrier.arrive $0xFFFF;
	s2 =	simm.s32 @!p0 $0x1C02  }
0xda: {  	[timem:s3], [sflag:s2] =	dma.local @!p0 [hbm:s0], s1  }
0xdb: {  	s0 =	simm.s32 @!p0 $0x2  }
0xdc: {  	_ =	swait.ge @!p0 [sflag:s0], s1  }
0xdd: {  	s1 =	ssub.s32 @!p0 $0x0, s1;
	[sflag:s0] =	ssyncset.done @!p0 $0x0  }
0xde: {  	[sflag:s0] =	ssyncadd.s32 @!p0 s1  }
0xdf: {  	[bflag:$0x3] =	sbarrier.arrive $0xFFFF  }
0xe0: {  	_ =	shalt  }

</sc_bundles>
